<compile_context>
chip_gen: v7x
topology: tpu7x:2x2x1
jax: 0.10.2.dev20260603
libtpu: 0.0.44.dev20260713+nightly
codegen_flags: <defaults>
</compile_context>

<pallas_src>
import functools

import jax
import jax.numpy as jnp
from jax import lax
from jax.experimental import pallas as pl
from jax.experimental.pallas import tpu as pltpu
from jax.experimental.pallas import tpu_sc as plsc

EMBED = 32
T = 200
B = 4096

NW = 32
BPW = B // NW
BPC = 4
NCH = BPW // BPC
CHUNK = BPC * T
W0, W1 = 128, T - 128


VOCAB = 1000000
DCOLS = 8192
NBLK = (VOCAB + DCOLS - 1) // DCOLS
PVOCAB = NBLK * DCOLS


def _detile_body(t_ref, y_ref):
    for k in range(DCOLS // 512):
        q = jnp.concatenate(
            [t_ref[:, pl.ds(512 * k + 128 * j, 128)] for j in range(4)],
            axis=0)
        y_ref[pl.ds(128 * k, 128), :] = q.T


def _detile_table(tokt):
    return pl.pallas_call(
        _detile_body,
        grid=(NBLK,),
        in_specs=[pl.BlockSpec((EMBED, DCOLS), lambda i: (0, i))],
        out_specs=pl.BlockSpec((DCOLS // 4, 128), lambda i: (i, 0)),
        out_shape=jax.ShapeDtypeStruct((PVOCAB * EMBED // 128, 128),
                                       jnp.float32),
    )(tokt)


def _perm(v):
    return ((v >> 9) << 9) | ((v & 127) << 2) | ((v >> 7) & 3)


def _repack_x_body(x_ref, y_ref):
    xp = _perm(x_ref[...])
    a = xp[:, :W0].reshape(B // 8, 8, W0)
    c = jnp.concatenate(
        [xp[:, W0:], jnp.zeros((B, W0 - W1), jnp.int32)], axis=1)
    y_ref[:, 0] = a
    y_ref[:, 1] = c.reshape(B // 8, 8, W0)


def _repack_x(x):
    return pl.pallas_call(
        _repack_x_body,
        out_shape=jax.ShapeDtypeStruct((B // 8, 2, 8, W0), jnp.int32),
    )(x)


def _sc_embed():
    mesh = plsc.VectorSubcoreMesh(core_axis_name="c", subcore_axis_name="s")

    @functools.partial(
        pl.kernel,
        mesh=mesh,
        compiler_params=pltpu.CompilerParams(use_tc_tiling_on_sc=False),
        out_type=jax.ShapeDtypeStruct((NW, NCH, CHUNK, EMBED), jnp.float32),
        scratch_types=[
            pltpu.VMEM((BPW // 8, 2, 8, W0), jnp.int32),
            pltpu.VMEM((2, CHUNK, EMBED), jnp.float32),
            pltpu.VMEM((T, EMBED), jnp.float32),
            pltpu.SemaphoreType.DMA,
            pltpu.SemaphoreType.DMA,
            pltpu.SemaphoreType.DMA,
            pltpu.SemaphoreType.DMA,
        ],
    )
    def k(table_hbm, xp_hbm, pos_hbm, out_hbm,
          idx_v, rows_v, pos_v, gsem0, gsem1, osem0, osem1):
        wid = lax.axis_index("s") * 2 + lax.axis_index("c")
        gsem = (gsem0, gsem1)
        osem = (osem0, osem1)

        def fire_gathers(b, g):
            for q in range(BPC):
                bl = BPC * g + q
                bt = bl // 8
                b8 = bl % 8
                pltpu.async_copy(
                    table_hbm.at[idx_v.at[bt, 0, b8]],
                    rows_v.at[b, pl.ds(q * T, W0)],
                    gsem[b],
                )
                pltpu.async_copy(
                    table_hbm.at[idx_v.at[bt, 1, b8, pl.ds(0, W1)]],
                    rows_v.at[b, pl.ds(q * T + W0, W1)],
                    gsem[b],
                )

        def drain_gathers(b):
            pltpu.make_async_copy(
                out_hbm.at[wid, 0], rows_v.at[b], gsem[b]).wait()

        def fire_out(b, g):
            pltpu.async_copy(rows_v.at[b], out_hbm.at[wid, g], osem[b])

        def drain_out(b):
            pltpu.make_async_copy(
                rows_v.at[b], out_hbm.at[wid, 0], osem[b]).wait()

        def pos_add(b):
            def row_body(r, c):
                p0 = pos_v[r, pl.ds(0, 16)]
                p1 = pos_v[r, pl.ds(16, 16)]
                for q in range(BPC):
                    rr = q * T + r
                    rows_v[b, rr, pl.ds(0, 16)] = (
                        rows_v[b, rr, pl.ds(0, 16)] + p0)
                    rows_v[b, rr, pl.ds(16, 16)] = (
                        rows_v[b, rr, pl.ds(16, 16)] + p1)
                return c

            lax.fori_loop(0, T, row_body, 0)

        pltpu.sync_copy(pos_hbm, pos_v)
        pltpu.sync_copy(xp_hbm.at[pl.ds(wid * (BPW // 8), BPW // 8)], idx_v)
        fire_gathers(0, 0)

        def outer(i, carry):
            for b in range(2):
                g = 2 * i + b
                pb = 1 - b

                @pl.when(g + 1 < NCH)
                def _stage():
                    @pl.when(g >= 1)
                    def _free():
                        drain_out(pb)

                    fire_gathers(pb, g + 1)

                drain_gathers(b)
                pos_add(b)
                fire_out(b, g)
            return carry

        lax.fori_loop(0, NCH // 2, outer, 0)
        drain_out(0)
        drain_out(1)

    return k


def kernel(x, token_emb, pos_emb):
    xp = _repack_x(x.astype(jnp.int32))
    table = _detile_table(token_emb.T).reshape(PVOCAB, EMBED)
    out = _sc_embed()(table, xp, pos_emb)
    return out.reshape(B, T, EMBED)

# --- scband reference (transcript-rebuilt; emitter-appended) ---
"""Pipeline reference for scband-embedding-layer-61864708931621 (READ-ONLY COPY).

The authoritative reference and input builder live on the scoring server;
editing this copy changes nothing except your own understanding.
"""

import jax, jax.numpy as jnp
import numpy as np

VOCAB = 1000000
EMBED = 32
BLOCK = 200
B = 4096
T = 200

def setup_inputs(seed: int = 0) -> dict:
    key = jax.random.key(seed)
    k1, k2, k3 = jax.random.split(key, 3)
    x = jax.random.randint(k1, (B, T), 0, VOCAB, dtype=jnp.int64) if jax.config.jax_enable_x64 else jax.random.randint(k1, (B, T), 0, VOCAB, dtype=jnp.int32)
    token_emb = jax.random.normal(k2, (VOCAB, EMBED), dtype=jnp.float32) * 0.02
    pos_emb = jax.random.normal(k3, (BLOCK, EMBED), dtype=jnp.float32) * 0.02
    return {"x": x, "token_emb": token_emb, "pos_emb": pos_emb}

def reference(x, token_emb, pos_emb):
    T_ = x.shape[1]
    pos = jnp.arange(T_)
    tok = jnp.take(token_emb, x, axis=0)          # [B, T, E] gather
    posv = jnp.take(pos_emb, pos, axis=0)         # [T, E]
    return tok + posv[None, :, :]

if __name__ == "__main__":
    import jax
    _d = setup_inputs()
    print(jax.jit(kernel)(*tuple(_d.values())))

</pallas_src>

<mosaic_0001>
#map = affine_map<(d0, d1) -> (0, 0)>
#map1 = affine_map<(d0, d1) -> (0, 0, 0, 0)>
module attributes {stable_mosaic.version = 14 : i64} {
  func.func @k(%arg0: i32, %arg1: i32, %arg2: memref<1007616x32xf32, #tpu.memory_space<hbm>>, %arg3: memref<512x2x8x128xi32, #tpu.memory_space<hbm>>, %arg4: memref<200x32xf32, #tpu.memory_space<hbm>>, %arg5: memref<32x32x800x32xf32, #tpu.memory_space<hbm>>, %arg6: memref<16x2x8x128xi32, #tpu.memory_space<vmem>>, %arg7: memref<2x800x32xf32, #tpu.memory_space<vmem>>, %arg8: memref<200x32xf32, #tpu.memory_space<vmem>>, %arg9: memref<!tpu.dma_semaphore, #tpu.memory_space<semaphore_mem>>, %arg10: memref<!tpu.dma_semaphore, #tpu.memory_space<semaphore_mem>>, %arg11: memref<!tpu.dma_semaphore, #tpu.memory_space<semaphore_mem>>, %arg12: memref<!tpu.dma_semaphore, #tpu.memory_space<semaphore_mem>>) attributes {dimension_semantics = [#tpu.dimension_semantics<core_parallel>, #tpu.dimension_semantics<subcore_parallel>], iteration_bounds = array<i64: 2, 16>, scalar_prefetch = 0 : i64, scratch_operands = 7 : i64, tpu.core_type = #tpu.core_type<sc_vector_subcore>, window_params = [{transform_indices = #map}, {transform_indices = #map1}, {transform_indices = #map}, {transform_indices = #map1}]} {
    %mul3A = arith.constant 2 : i32
    %mul3A_0 = arith.muli %arg1, %mul3A : i32
    %add3A = arith.addi %mul3A_0, %arg0 : i32
    "tpu.region"() ({
      %run_scoped3A = tpu.sem_alloc : memref<!tpu.dma_semaphore, #tpu.memory_space<semaphore_mem>>
      tpu.enqueue_dma source(%arg4 : memref<200x32xf32, #tpu.memory_space<hbm>>) target(%arg8 : memref<200x32xf32, #tpu.memory_space<vmem>>) target_semaphore(%run_scoped3A : memref<!tpu.dma_semaphore, #tpu.memory_space<semaphore_mem>>)
      tpu.wait_dma2 semaphore(%run_scoped3A : memref<!tpu.dma_semaphore, #tpu.memory_space<semaphore_mem>>) src(%arg4 : memref<200x32xf32, #tpu.memory_space<hbm>>) dst(%arg8 : memref<200x32xf32, #tpu.memory_space<vmem>>)
      tpu.yield
    }) : () -> ()
    %mul3A_1 = arith.constant 16 : i32
    %mul3A_2 = arith.muli %add3A, %mul3A_1 : i32
    "tpu.region"() ({
      %run_scoped3A = tpu.sem_alloc : memref<!tpu.dma_semaphore, #tpu.memory_space<semaphore_mem>>
      %dma_start3A_154 = arith.constant 0 : i32
      %dma_start3A_155 = arith.constant 0 : i32
      %dma_start3A_156 = arith.constant 0 : i32
      %dma_start3A_157 = tpu.memref_slice %arg3[%mul3A_2, %dma_start3A_154, %dma_start3A_155, %dma_start3A_156] : memref<512x2x8x128xi32, #tpu.memory_space<hbm>> -> memref<16x2x8x128xi32, #tpu.memory_space<hbm>>
      %dma_start3A_158 = arith.constant 0 : i32
      %dma_start3A_159 = arith.constant 0 : i32
      %dma_start3A_160 = arith.constant 0 : i32
      %dma_start3A_161 = tpu.memref_slice %arg3[%mul3A_2, %dma_start3A_158, %dma_start3A_159, %dma_start3A_160] : memref<512x2x8x128xi32, #tpu.memory_space<hbm>> -> memref<16x2x8x128xi32, #tpu.memory_space<hbm>>
      tpu.enqueue_dma source(%dma_start3A_161 : memref<16x2x8x128xi32, #tpu.memory_space<hbm>>) target(%arg6 : memref<16x2x8x128xi32, #tpu.memory_space<vmem>>) target_semaphore(%run_scoped3A : memref<!tpu.dma_semaphore, #tpu.memory_space<semaphore_mem>>)
      %dma_wait3A_162 = arith.constant 0 : i32
      %dma_wait3A_163 = arith.constant 0 : i32
      %dma_wait3A_164 = arith.constant 0 : i32
      %dma_wait3A_165 = tpu.memref_slice %arg3[%mul3A_2, %dma_wait3A_162, %dma_wait3A_163, %dma_wait3A_164] : memref<512x2x8x128xi32, #tpu.memory_space<hbm>> -> memref<16x2x8x128xi32, #tpu.memory_space<hbm>>
      %dma_wait3A_166 = arith.constant 0 : i32
      %dma_wait3A_167 = arith.constant 0 : i32
      %dma_wait3A_168 = arith.constant 0 : i32
      %dma_wait3A_169 = tpu.memref_slice %arg3[%mul3A_2, %dma_wait3A_166, %dma_wait3A_167, %dma_wait3A_168] : memref<512x2x8x128xi32, #tpu.memory_space<hbm>> -> memref<16x2x8x128xi32, #tpu.memory_space<hbm>>
      tpu.wait_dma2 semaphore(%run_scoped3A : memref<!tpu.dma_semaphore, #tpu.memory_space<semaphore_mem>>) src(%dma_wait3A_169 : memref<16x2x8x128xi32, #tpu.memory_space<hbm>>) dst(%arg6 : memref<16x2x8x128xi32, #tpu.memory_space<vmem>>)
      tpu.yield
    }) : () -> ()
    %dma_start3A = arith.constant 0 : i32
    %dma_start3A_3 = arith.constant 0 : i32
    %dma_start3A_4 = arith.constant 0 : i32
    %dma_start3A_5 = arith.constant 0 : i32
    %dma_start3A_6 = arith.constant 0 : i32
    %dma_start3A_7 = arith.constant 0 : i32
    %dma_start3A_8 = tpu.memref_slice %arg7[%dma_start3A_5, %dma_start3A_6, %dma_start3A_7] : memref<2x800x32xf32, #tpu.memory_space<vmem>> -> memref<1x128x32xf32, #tpu.memory_space<vmem>>
    %dma_start3A_9 = tpu.memref_squeeze %dma_start3A_8 : memref<1x128x32xf32, #tpu.memory_space<vmem>> -> memref<128x32xf32, #tpu.memory_space<vmem>>
    %dma_start3A_10 = arith.constant 0 : i32
    %dma_start3A_11 = tpu.memref_slice %arg6[%dma_start3A, %dma_start3A_3, %dma_start3A_4, %dma_start3A_10] : memref<16x2x8x128xi32, #tpu.memory_space<vmem>> -> memref<1x1x1x128xi32, #tpu.memory_space<vmem>>
    %dma_start3A_12 = tpu.memref_squeeze %dma_start3A_11 : memref<1x1x1x128xi32, #tpu.memory_space<vmem>> -> memref<128xi32, #tpu.memory_space<vmem>>
    %dma_start3A_13 = arith.constant 0 : i32
    %dma_start3A_14 = arith.constant 0 : i32
    %dma_start3A_15 = tpu.memref_slice %arg2[%dma_start3A_13, %dma_start3A_14] : memref<1007616x32xf32, #tpu.memory_space<hbm>> -> memref<1007616x32xf32, #tpu.memory_space<hbm>>
    tpu.enqueue_indirect_dma source(%dma_start3A_15 : memref<1007616x32xf32, #tpu.memory_space<hbm>>) target(%dma_start3A_9 : memref<128x32xf32, #tpu.memory_space<vmem>>) offsets(%dma_start3A_12 : memref<128xi32, #tpu.memory_space<vmem>>) semaphore(%arg9 : memref<!tpu.dma_semaphore, #tpu.memory_space<semaphore_mem>>)
    %dma_start3A_16 = arith.constant 0 : i32
    %dma_start3A_17 = arith.constant 1 : i32
    %dma_start3A_18 = arith.constant 0 : i32
    %dma_start3A_19 = arith.constant 0 : i32
    %dma_start3A_20 = arith.constant 128 : i32
    %dma_start3A_21 = arith.constant 0 : i32
    %dma_start3A_22 = tpu.memref_slice %arg7[%dma_start3A_19, %dma_start3A_20, %dma_start3A_21] : memref<2x800x32xf32, #tpu.memory_space<vmem>> -> memref<1x72x32xf32, #tpu.memory_space<vmem>>
    %dma_start3A_23 = tpu.memref_squeeze %dma_start3A_22 : memref<1x72x32xf32, #tpu.memory_space<vmem>> -> memref<72x32xf32, #tpu.memory_space<vmem>>
    %dma_start3A_24 = arith.constant 0 : i32
    %dma_start3A_25 = tpu.memref_slice %arg6[%dma_start3A_16, %dma_start3A_17, %dma_start3A_18, %dma_start3A_24] : memref<16x2x8x128xi32, #tpu.memory_space<vmem>> -> memref<1x1x1x72xi32, #tpu.memory_space<vmem>>
    %dma_start3A_26 = tpu.memref_squeeze %dma_start3A_25 : memref<1x1x1x72xi32, #tpu.memory_space<vmem>> -> memref<72xi32, #tpu.memory_space<vmem>>
    %dma_start3A_27 = arith.constant 0 : i32
    %dma_start3A_28 = arith.constant 0 : i32
    %dma_start3A_29 = tpu.memref_slice %arg2[%dma_start3A_27, %dma_start3A_28] : memref<1007616x32xf32, #tpu.memory_space<hbm>> -> memref<1007616x32xf32, #tpu.memory_space<hbm>>
    tpu.enqueue_indirect_dma source(%dma_start3A_29 : memref<1007616x32xf32, #tpu.memory_space<hbm>>) target(%dma_start3A_23 : memref<72x32xf32, #tpu.memory_space<vmem>>) offsets(%dma_start3A_26 : memref<72xi32, #tpu.memory_space<vmem>>) semaphore(%arg9 : memref<!tpu.dma_semaphore, #tpu.memory_space<semaphore_mem>>)
    %dma_start3A_30 = arith.constant 0 : i32
    %dma_start3A_31 = arith.constant 0 : i32
    %dma_start3A_32 = arith.constant 1 : i32
    %dma_start3A_33 = arith.constant 0 : i32
    %dma_start3A_34 = arith.constant 200 : i32
    %dma_start3A_35 = arith.constant 0 : i32
    %dma_start3A_36 = tpu.memref_slice %arg7[%dma_start3A_33, %dma_start3A_34, %dma_start3A_35] : memref<2x800x32xf32, #tpu.memory_space<vmem>> -> memref<1x128x32xf32, #tpu.memory_space<vmem>>
    %dma_start3A_37 = tpu.memref_squeeze %dma_start3A_36 : memref<1x128x32xf32, #tpu.memory_space<vmem>> -> memref<128x32xf32, #tpu.memory_space<vmem>>
    %dma_start3A_38 = arith.constant 0 : i32
    %dma_start3A_39 = tpu.memref_slice %arg6[%dma_start3A_30, %dma_start3A_31, %dma_start3A_32, %dma_start3A_38] : memref<16x2x8x128xi32, #tpu.memory_space<vmem>> -> memref<1x1x1x128xi32, #tpu.memory_space<vmem>>
    %dma_start3A_40 = tpu.memref_squeeze %dma_start3A_39 : memref<1x1x1x128xi32, #tpu.memory_space<vmem>> -> memref<128xi32, #tpu.memory_space<vmem>>
    %dma_start3A_41 = arith.constant 0 : i32
    %dma_start3A_42 = arith.constant 0 : i32
    %dma_start3A_43 = tpu.memref_slice %arg2[%dma_start3A_41, %dma_start3A_42] : memref<1007616x32xf32, #tpu.memory_space<hbm>> -> memref<1007616x32xf32, #tpu.memory_space<hbm>>
    tpu.enqueue_indirect_dma source(%dma_start3A_43 : memref<1007616x32xf32, #tpu.memory_space<hbm>>) target(%dma_start3A_37 : memref<128x32xf32, #tpu.memory_space<vmem>>) offsets(%dma_start3A_40 : memref<128xi32, #tpu.memory_space<vmem>>) semaphore(%arg9 : memref<!tpu.dma_semaphore, #tpu.memory_space<semaphore_mem>>)
    %dma_start3A_44 = arith.constant 0 : i32
    %dma_start3A_45 = arith.constant 1 : i32
    %dma_start3A_46 = arith.constant 1 : i32
    %dma_start3A_47 = arith.constant 0 : i32
    %dma_start3A_48 = arith.constant 328 : i32
    %dma_start3A_49 = arith.constant 0 : i32
    %dma_start3A_50 = tpu.memref_slice %arg7[%dma_start3A_47, %dma_start3A_48, %dma_start3A_49] : memref<2x800x32xf32, #tpu.memory_space<vmem>> -> memref<1x72x32xf32, #tpu.memory_space<vmem>>
    %dma_start3A_51 = tpu.memref_squeeze %dma_start3A_50 : memref<1x72x32xf32, #tpu.memory_space<vmem>> -> memref<72x32xf32, #tpu.memory_space<vmem>>
    %dma_start3A_52 = arith.constant 0 : i32
    %dma_start3A_53 = tpu.memref_slice %arg6[%dma_start3A_44, %dma_start3A_45, %dma_start3A_46, %dma_start3A_52] : memref<16x2x8x128xi32, #tpu.memory_space<vmem>> -> memref<1x1x1x72xi32, #tpu.memory_space<vmem>>
    %dma_start3A_54 = tpu.memref_squeeze %dma_start3A_53 : memref<1x1x1x72xi32, #tpu.memory_space<vmem>> -> memref<72xi32, #tpu.memory_space<vmem>>
    %dma_start3A_55 = arith.constant 0 : i32
    %dma_start3A_56 = arith.constant 0 : i32
    %dma_start3A_57 = tpu.memref_slice %arg2[%dma_start3A_55, %dma_start3A_56] : memref<1007616x32xf32, #tpu.memory_space<hbm>> -> memref<1007616x32xf32, #tpu.memory_space<hbm>>
    tpu.enqueue_indirect_dma source(%dma_start3A_57 : memref<1007616x32xf32, #tpu.memory_space<hbm>>) target(%dma_start3A_51 : memref<72x32xf32, #tpu.memory_space<vmem>>) offsets(%dma_start3A_54 : memref<72xi32, #tpu.memory_space<vmem>>) semaphore(%arg9 : memref<!tpu.dma_semaphore, #tpu.memory_space<semaphore_mem>>)
    %dma_start3A_58 = arith.constant 0 : i32
    %dma_start3A_59 = arith.constant 0 : i32
    %dma_start3A_60 = arith.constant 2 : i32
    %dma_start3A_61 = arith.constant 0 : i32
    %dma_start3A_62 = arith.constant 400 : i32
    %dma_start3A_63 = arith.constant 0 : i32
    %dma_start3A_64 = tpu.memref_slice %arg7[%dma_start3A_61, %dma_start3A_62, %dma_start3A_63] : memref<2x800x32xf32, #tpu.memory_space<vmem>> -> memref<1x128x32xf32, #tpu.memory_space<vmem>>
    %dma_start3A_65 = tpu.memref_squeeze %dma_start3A_64 : memref<1x128x32xf32, #tpu.memory_space<vmem>> -> memref<128x32xf32, #tpu.memory_space<vmem>>
    %dma_start3A_66 = arith.constant 0 : i32
    %dma_start3A_67 = tpu.memref_slice %arg6[%dma_start3A_58, %dma_start3A_59, %dma_start3A_60, %dma_start3A_66] : memref<16x2x8x128xi32, #tpu.memory_space<vmem>> -> memref<1x1x1x128xi32, #tpu.memory_space<vmem>>
    %dma_start3A_68 = tpu.memref_squeeze %dma_start3A_67 : memref<1x1x1x128xi32, #tpu.memory_space<vmem>> -> memref<128xi32, #tpu.memory_space<vmem>>
    %dma_start3A_69 = arith.constant 0 : i32
    %dma_start3A_70 = arith.constant 0 : i32
    %dma_start3A_71 = tpu.memref_slice %arg2[%dma_start3A_69, %dma_start3A_70] : memref<1007616x32xf32, #tpu.memory_space<hbm>> -> memref<1007616x32xf32, #tpu.memory_space<hbm>>
    tpu.enqueue_indirect_dma source(%dma_start3A_71 : memref<1007616x32xf32, #tpu.memory_space<hbm>>) target(%dma_start3A_65 : memref<128x32xf32, #tpu.memory_space<vmem>>) offsets(%dma_start3A_68 : memref<128xi32, #tpu.memory_space<vmem>>) semaphore(%arg9 : memref<!tpu.dma_semaphore, #tpu.memory_space<semaphore_mem>>)
    %dma_start3A_72 = arith.constant 0 : i32
    %dma_start3A_73 = arith.constant 1 : i32
    %dma_start3A_74 = arith.constant 2 : i32
    %dma_start3A_75 = arith.constant 0 : i32
    %dma_start3A_76 = arith.constant 528 : i32
    %dma_start3A_77 = arith.constant 0 : i32
    %dma_start3A_78 = tpu.memref_slice %arg7[%dma_start3A_75, %dma_start3A_76, %dma_start3A_77] : memref<2x800x32xf32, #tpu.memory_space<vmem>> -> memref<1x72x32xf32, #tpu.memory_space<vmem>>
    %dma_start3A_79 = tpu.memref_squeeze %dma_start3A_78 : memref<1x72x32xf32, #tpu.memory_space<vmem>> -> memref<72x32xf32, #tpu.memory_space<vmem>>
    %dma_start3A_80 = arith.constant 0 : i32
    %dma_start3A_81 = tpu.memref_slice %arg6[%dma_start3A_72, %dma_start3A_73, %dma_start3A_74, %dma_start3A_80] : memref<16x2x8x128xi32, #tpu.memory_space<vmem>> -> memref<1x1x1x72xi32, #tpu.memory_space<vmem>>
    %dma_start3A_82 = tpu.memref_squeeze %dma_start3A_81 : memref<1x1x1x72xi32, #tpu.memory_space<vmem>> -> memref<72xi32, #tpu.memory_space<vmem>>
    %dma_start3A_83 = arith.constant 0 : i32
    %dma_start3A_84 = arith.constant 0 : i32
    %dma_start3A_85 = tpu.memref_slice %arg2[%dma_start3A_83, %dma_start3A_84] : memref<1007616x32xf32, #tpu.memory_space<hbm>> -> memref<1007616x32xf32, #tpu.memory_space<hbm>>
    tpu.enqueue_indirect_dma source(%dma_start3A_85 : memref<1007616x32xf32, #tpu.memory_space<hbm>>) target(%dma_start3A_79 : memref<72x32xf32, #tpu.memory_space<vmem>>) offsets(%dma_start3A_82 : memref<72xi32, #tpu.memory_space<vmem>>) semaphore(%arg9 : memref<!tpu.dma_semaphore, #tpu.memory_space<semaphore_mem>>)
    %dma_start3A_86 = arith.constant 0 : i32
    %dma_start3A_87 = arith.constant 0 : i32
    %dma_start3A_88 = arith.constant 3 : i32
    %dma_start3A_89 = arith.constant 0 : i32
    %dma_start3A_90 = arith.constant 600 : i32
    %dma_start3A_91 = arith.constant 0 : i32
    %dma_start3A_92 = tpu.memref_slice %arg7[%dma_start3A_89, %dma_start3A_90, %dma_start3A_91] : memref<2x800x32xf32, #tpu.memory_space<vmem>> -> memref<1x128x32xf32, #tpu.memory_space<vmem>>
    %dma_start3A_93 = tpu.memref_squeeze %dma_start3A_92 : memref<1x128x32xf32, #tpu.memory_space<vmem>> -> memref<128x32xf32, #tpu.memory_space<vmem>>
    %dma_start3A_94 = arith.constant 0 : i32
    %dma_start3A_95 = tpu.memref_slice %arg6[%dma_start3A_86, %dma_start3A_87, %dma_start3A_88, %dma_start3A_94] : memref<16x2x8x128xi32, #tpu.memory_space<vmem>> -> memref<1x1x1x128xi32, #tpu.memory_space<vmem>>
    %dma_start3A_96 = tpu.memref_squeeze %dma_start3A_95 : memref<1x1x1x128xi32, #tpu.memory_space<vmem>> -> memref<128xi32, #tpu.memory_space<vmem>>
    %dma_start3A_97 = arith.constant 0 : i32
    %dma_start3A_98 = arith.constant 0 : i32
    %dma_start3A_99 = tpu.memref_slice %arg2[%dma_start3A_97, %dma_start3A_98] : memref<1007616x32xf32, #tpu.memory_space<hbm>> -> memref<1007616x32xf32, #tpu.memory_space<hbm>>
    tpu.enqueue_indirect_dma source(%dma_start3A_99 : memref<1007616x32xf32, #tpu.memory_space<hbm>>) target(%dma_start3A_93 : memref<128x32xf32, #tpu.memory_space<vmem>>) offsets(%dma_start3A_96 : memref<128xi32, #tpu.memory_space<vmem>>) semaphore(%arg9 : memref<!tpu.dma_semaphore, #tpu.memory_space<semaphore_mem>>)
    %dma_start3A_100 = arith.constant 0 : i32
    %dma_start3A_101 = arith.constant 1 : i32
    %dma_start3A_102 = arith.constant 3 : i32
    %dma_start3A_103 = arith.constant 0 : i32
    %dma_start3A_104 = arith.constant 728 : i32
    %dma_start3A_105 = arith.constant 0 : i32
    %dma_start3A_106 = tpu.memref_slice %arg7[%dma_start3A_103, %dma_start3A_104, %dma_start3A_105] : memref<2x800x32xf32, #tpu.memory_space<vmem>> -> memref<1x72x32xf32, #tpu.memory_space<vmem>>
    %dma_start3A_107 = tpu.memref_squeeze %dma_start3A_106 : memref<1x72x32xf32, #tpu.memory_space<vmem>> -> memref<72x32xf32, #tpu.memory_space<vmem>>
    %dma_start3A_108 = arith.constant 0 : i32
    %dma_start3A_109 = tpu.memref_slice %arg6[%dma_start3A_100, %dma_start3A_101, %dma_start3A_102, %dma_start3A_108] : memref<16x2x8x128xi32, #tpu.memory_space<vmem>> -> memref<1x1x1x72xi32, #tpu.memory_space<vmem>>
    %dma_start3A_110 = tpu.memref_squeeze %dma_start3A_109 : memref<1x1x1x72xi32, #tpu.memory_space<vmem>> -> memref<72xi32, #tpu.memory_space<vmem>>
    %dma_start3A_111 = arith.constant 0 : i32
    %dma_start3A_112 = arith.constant 0 : i32
    %dma_start3A_113 = tpu.memref_slice %arg2[%dma_start3A_111, %dma_start3A_112] : memref<1007616x32xf32, #tpu.memory_space<hbm>> -> memref<1007616x32xf32, #tpu.memory_space<hbm>>
    tpu.enqueue_indirect_dma source(%dma_start3A_113 : memref<1007616x32xf32, #tpu.memory_space<hbm>>) target(%dma_start3A_107 : memref<72x32xf32, #tpu.memory_space<vmem>>) offsets(%dma_start3A_110 : memref<72xi32, #tpu.memory_space<vmem>>) semaphore(%arg9 : memref<!tpu.dma_semaphore, #tpu.memory_space<semaphore_mem>>)
    %scan3A = arith.constant 0 : i32
    %scan3A_114 = arith.constant 0 : i32
    %scan3A_115 = arith.constant 16 : i32
    %scan3A_116 = arith.addi %scan3A_114, %scan3A_115 : i32
    %scan3A_117 = arith.constant 1 : i32
    scf.for %scan3A_154 = %scan3A_114 to %scan3A_116 step %scan3A_117  : i32 {
      %mul3A_155 = arith.constant 2 : i32
      %mul3A_156 = arith.muli %mul3A_155, %scan3A_154 : i32
      %add3A_157 = arith.constant 0 : i32
      %add3A_158 = arith.addi %mul3A_156, %add3A_157 : i32
      %add3A_159 = arith.constant 1 : i32
      %add3A_160 = arith.addi %add3A_158, %add3A_159 : i32
      %lt3A = arith.constant 32 : i32
      %lt3A_161 = arith.cmpi slt, %add3A_160, %lt3A : i32
      %convert_element_type3A = arith.extui %lt3A_161 : i1 to i32
      %cond3A = arith.constant 0 : i32
      %cond3A_162 = arith.cmpi ne, %convert_element_type3A, %cond3A : i32
      scf.if %cond3A_162 {
        %ge3A = arith.constant 1 : i32
        %ge3A_256 = arith.cmpi sge, %add3A_158, %ge3A : i32
        %convert_element_type3A_257 = arith.extui %ge3A_256 : i1 to i32
        %cond3A_258 = arith.constant 0 : i32
        %cond3A_259 = arith.cmpi ne, %convert_element_type3A_257, %cond3A_258 : i32
        scf.if %cond3A_259 {
          %dma_wait3A_525 = arith.constant 1 : i32
          %dma_wait3A_526 = arith.constant 0 : i32
          %dma_wait3A_527 = arith.constant 0 : i32
          %dma_wait3A_528 = arith.constant 0 : i32
          %dma_wait3A_529 = tpu.memref_slice %arg7[%dma_wait3A_525, %dma_wait3A_527, %dma_wait3A_528] : memref<2x800x32xf32, #tpu.memory_space<vmem>> -> memref<1x800x32xf32, #tpu.memory_space<vmem>>
          %dma_wait3A_530 = tpu.memref_squeeze %dma_wait3A_529 : memref<1x800x32xf32, #tpu.memory_space<vmem>> -> memref<800x32xf32, #tpu.memory_space<vmem>>
          %dma_wait3A_531 = arith.constant 0 : i32
          %dma_wait3A_532 = arith.constant 0 : i32
          %dma_wait3A_533 = tpu.memref_slice %arg5[%add3A, %dma_wait3A_526, %dma_wait3A_531, %dma_wait3A_532] : memref<32x32x800x32xf32, #tpu.memory_space<hbm>> -> memref<1x1x800x32xf32, #tpu.memory_space<hbm>>
          %dma_wait3A_534 = tpu.memref_squeeze %dma_wait3A_533 : memref<1x1x800x32xf32, #tpu.memory_space<hbm>> -> memref<800x32xf32, #tpu.memory_space<hbm>>
          %dma_wait3A_535 = arith.constant 0 : i32
          %dma_wait3A_536 = arith.constant 0 : i32
          %dma_wait3A_537 = tpu.memref_slice %arg5[%add3A, %dma_wait3A_526, %dma_wait3A_535, %dma_wait3A_536] : memref<32x32x800x32xf32, #tpu.memory_space<hbm>> -> memref<1x1x800x32xf32, #tpu.memory_space<hbm>>
          %dma_wait3A_538 = tpu.memref_squeeze %dma_wait3A_537 : memref<1x1x800x32xf32, #tpu.memory_space<hbm>> -> memref<800x32xf32, #tpu.memory_space<hbm>>
          %dma_wait3A_539 = arith.constant 0 : i32
          %dma_wait3A_540 = arith.constant 0 : i32
          %dma_wait3A_541 = tpu.memref_slice %arg7[%dma_wait3A_525, %dma_wait3A_539, %dma_wait3A_540] : memref<2x800x32xf32, #tpu.memory_space<vmem>> -> memref<1x800x32xf32, #tpu.memory_space<vmem>>
          %dma_wait3A_542 = tpu.memref_squeeze %dma_wait3A_541 : memref<1x800x32xf32, #tpu.memory_space<vmem>> -> memref<800x32xf32, #tpu.memory_space<vmem>>
          tpu.wait_dma2 semaphore(%arg12 : memref<!tpu.dma_semaphore, #tpu.memory_space<semaphore_mem>>) src(%dma_wait3A_542 : memref<800x32xf32, #tpu.memory_space<vmem>>) dst(%dma_wait3A_538 : memref<800x32xf32, #tpu.memory_space<hbm>>)
        } else {
        }
        %add3A_260 = arith.constant 1 : i32
        %add3A_261 = arith.addi %add3A_158, %add3A_260 : i32
        %mul3A_262 = arith.constant 4 : i32
        %mul3A_263 = arith.muli %mul3A_262, %add3A_261 : i32
        %add3A_264 = arith.constant 0 : i32
        %add3A_265 = arith.addi %mul3A_263, %add3A_264 : i32
        %jit3A = arith.constant 8 : i32
        %div3A = arith.divsi %add3A_265, %jit3A : i32
        %sign3A = arith.constant 0 : i32
        %sign3A_266 = arith.cmpi sgt, %add3A_265, %sign3A : i32
        %sign3A_267 = arith.extui %sign3A_266 : i1 to i32
        %sign3A_268 = arith.constant 0 : i32
        %sign3A_269 = arith.cmpi slt, %add3A_265, %sign3A_268 : i32
        %sign3A_270 = arith.extui %sign3A_269 : i1 to i32
        %sign3A_271 = arith.subi %sign3A_267, %sign3A_270 : i32
        %sign3A_272 = arith.constant 0 : i32
        %sign3A_273 = arith.cmpi sgt, %jit3A, %sign3A_272 : i32
        %sign3A_274 = arith.extui %sign3A_273 : i1 to i32
        %sign3A_275 = arith.constant 0 : i32
        %sign3A_276 = arith.cmpi slt, %jit3A, %sign3A_275 : i32
        %sign3A_277 = arith.extui %sign3A_276 : i1 to i32
        %sign3A_278 = arith.subi %sign3A_274, %sign3A_277 : i32
        %ne3A = arith.cmpi ne, %sign3A_271, %sign3A_278 : i32
        %rem3A = arith.remsi %add3A_265, %jit3A : i32
        %ne3A_279 = arith.constant 0 : i32
        %ne3A_280 = arith.cmpi ne, %rem3A, %ne3A_279 : i32
        %and3A = arith.andi %ne3A, %ne3A_280 : i1
        %sub3A = arith.constant 1 : i32
        %sub3A_281 = arith.subi %div3A, %sub3A : i32
        %select_n3A = arith.select %and3A, %sub3A_281, %div3A : i32
        %jit3A_282 = arith.constant 8 : i32
        %eq3A = arith.constant 0 : i32
        %eq3A_283 = arith.cmpi eq, %jit3A_282, %eq3A : i32
        %jit3A_284 = arith.constant 1 : i32
        %select_n3A_285 = arith.select %eq3A_283, %jit3A_284, %jit3A_282 : i32
        %rem3A_286 = arith.remsi %add3A_265, %select_n3A_285 : i32
        %ne3A_287 = arith.constant 0 : i32
        %ne3A_288 = arith.cmpi ne, %rem3A_286, %ne3A_287 : i32
        %lt3A_289 = arith.constant 0 : i32
        %lt3A_290 = arith.cmpi slt, %rem3A_286, %lt3A_289 : i32
        %lt3A_291 = arith.constant 0 : i32
        %lt3A_292 = arith.cmpi slt, %select_n3A_285, %lt3A_291 : i32
        %ne3A_293 = arith.xori %lt3A_290, %lt3A_292 : i1
        %and3A_294 = arith.andi %ne3A_293, %ne3A_288 : i1
        %add3A_295 = arith.addi %rem3A_286, %select_n3A_285 : i32
        %select_n3A_296 = arith.select %and3A_294, %add3A_295, %rem3A_286 : i32
        %dma_start3A_297 = arith.constant 0 : i32
        %dma_start3A_298 = arith.constant 1 : i32
        %dma_start3A_299 = arith.constant 0 : i32
        %dma_start3A_300 = arith.constant 0 : i32
        %dma_start3A_301 = tpu.memref_slice %arg7[%dma_start3A_298, %dma_start3A_299, %dma_start3A_300] : memref<2x800x32xf32, #tpu.memory_space<vmem>> -> memref<1x128x32xf32, #tpu.memory_space<vmem>>
        %dma_start3A_302 = tpu.memref_squeeze %dma_start3A_301 : memref<1x128x32xf32, #tpu.memory_space<vmem>> -> memref<128x32xf32, #tpu.memory_space<vmem>>
        %dma_start3A_303 = arith.constant 0 : i32
        %dma_start3A_304 = tpu.memref_slice %arg6[%select_n3A, %dma_start3A_297, %select_n3A_296, %dma_start3A_303] : memref<16x2x8x128xi32, #tpu.memory_space<vmem>> -> memref<1x1x1x128xi32, #tpu.memory_space<vmem>>
        %dma_start3A_305 = tpu.memref_squeeze %dma_start3A_304 : memref<1x1x1x128xi32, #tpu.memory_space<vmem>> -> memref<128xi32, #tpu.memory_space<vmem>>
        %dma_start3A_306 = arith.constant 0 : i32
        %dma_start3A_307 = arith.constant 0 : i32
        %dma_start3A_308 = tpu.memref_slice %arg2[%dma_start3A_306, %dma_start3A_307] : memref<1007616x32xf32, #tpu.memory_space<hbm>> -> memref<1007616x32xf32, #tpu.memory_space<hbm>>
        tpu.enqueue_indirect_dma source(%dma_start3A_308 : memref<1007616x32xf32, #tpu.memory_space<hbm>>) target(%dma_start3A_302 : memref<128x32xf32, #tpu.memory_space<vmem>>) offsets(%dma_start3A_305 : memref<128xi32, #tpu.memory_space<vmem>>) semaphore(%arg10 : memref<!tpu.dma_semaphore, #tpu.memory_space<semaphore_mem>>)
        %dma_start3A_309 = arith.constant 1 : i32
        %dma_start3A_310 = arith.constant 1 : i32
        %dma_start3A_311 = arith.constant 128 : i32
        %dma_start3A_312 = arith.constant 0 : i32
        %dma_start3A_313 = tpu.memref_slice %arg7[%dma_start3A_310, %dma_start3A_311, %dma_start3A_312] : memref<2x800x32xf32, #tpu.memory_space<vmem>> -> memref<1x72x32xf32, #tpu.memory_space<vmem>>
        %dma_start3A_314 = tpu.memref_squeeze %dma_start3A_313 : memref<1x72x32xf32, #tpu.memory_space<vmem>> -> memref<72x32xf32, #tpu.memory_space<vmem>>
        %dma_start3A_315 = arith.constant 0 : i32
        %dma_start3A_316 = tpu.memref_slice %arg6[%select_n3A, %dma_start3A_309, %select_n3A_296, %dma_start3A_315] : memref<16x2x8x128xi32, #tpu.memory_space<vmem>> -> memref<1x1x1x72xi32, #tpu.memory_space<vmem>>
        %dma_start3A_317 = tpu.memref_squeeze %dma_start3A_316 : memref<1x1x1x72xi32, #tpu.memory_space<vmem>> -> memref<72xi32, #tpu.memory_space<vmem>>
        %dma_start3A_318 = arith.constant 0 : i32
        %dma_start3A_319 = arith.constant 0 : i32
        %dma_start3A_320 = tpu.memref_slice %arg2[%dma_start3A_318, %dma_start3A_319] : memref<1007616x32xf32, #tpu.memory_space<hbm>> -> memref<1007616x32xf32, #tpu.memory_space<hbm>>
        tpu.enqueue_indirect_dma source(%dma_start3A_320 : memref<1007616x32xf32, #tpu.memory_space<hbm>>) target(%dma_start3A_314 : memref<72x32xf32, #tpu.memory_space<vmem>>) offsets(%dma_start3A_317 : memref<72xi32, #tpu.memory_space<vmem>>) semaphore(%arg10 : memref<!tpu.dma_semaphore, #tpu.memory_space<semaphore_mem>>)
        %mul3A_321 = arith.constant 4 : i32
        %mul3A_322 = arith.muli %mul3A_321, %add3A_261 : i32
        %add3A_323 = arith.constant 1 : i32
        %add3A_324 = arith.addi %mul3A_322, %add3A_323 : i32
        %jit3A_325 = arith.constant 8 : i32
        %div3A_326 = arith.divsi %add3A_324, %jit3A_325 : i32
        %sign3A_327 = arith.constant 0 : i32
        %sign3A_328 = arith.cmpi sgt, %add3A_324, %sign3A_327 : i32
        %sign3A_329 = arith.extui %sign3A_328 : i1 to i32
        %sign3A_330 = arith.constant 0 : i32
        %sign3A_331 = arith.cmpi slt, %add3A_324, %sign3A_330 : i32
        %sign3A_332 = arith.extui %sign3A_331 : i1 to i32
        %sign3A_333 = arith.subi %sign3A_329, %sign3A_332 : i32
        %sign3A_334 = arith.constant 0 : i32
        %sign3A_335 = arith.cmpi sgt, %jit3A_325, %sign3A_334 : i32
        %sign3A_336 = arith.extui %sign3A_335 : i1 to i32
        %sign3A_337 = arith.constant 0 : i32
        %sign3A_338 = arith.cmpi slt, %jit3A_325, %sign3A_337 : i32
        %sign3A_339 = arith.extui %sign3A_338 : i1 to i32
        %sign3A_340 = arith.subi %sign3A_336, %sign3A_339 : i32
        %ne3A_341 = arith.cmpi ne, %sign3A_333, %sign3A_340 : i32
        %rem3A_342 = arith.remsi %add3A_324, %jit3A_325 : i32
        %ne3A_343 = arith.constant 0 : i32
        %ne3A_344 = arith.cmpi ne, %rem3A_342, %ne3A_343 : i32
        %and3A_345 = arith.andi %ne3A_341, %ne3A_344 : i1
        %sub3A_346 = arith.constant 1 : i32
        %sub3A_347 = arith.subi %div3A_326, %sub3A_346 : i32
        %select_n3A_348 = arith.select %and3A_345, %sub3A_347, %div3A_326 : i32
        %jit3A_349 = arith.constant 8 : i32
        %eq3A_350 = arith.constant 0 : i32
        %eq3A_351 = arith.cmpi eq, %jit3A_349, %eq3A_350 : i32
        %jit3A_352 = arith.constant 1 : i32
        %select_n3A_353 = arith.select %eq3A_351, %jit3A_352, %jit3A_349 : i32
        %rem3A_354 = arith.remsi %add3A_324, %select_n3A_353 : i32
        %ne3A_355 = arith.constant 0 : i32
        %ne3A_356 = arith.cmpi ne, %rem3A_354, %ne3A_355 : i32
        %lt3A_357 = arith.constant 0 : i32
        %lt3A_358 = arith.cmpi slt, %rem3A_354, %lt3A_357 : i32
        %lt3A_359 = arith.constant 0 : i32
        %lt3A_360 = arith.cmpi slt, %select_n3A_353, %lt3A_359 : i32
        %ne3A_361 = arith.xori %lt3A_358, %lt3A_360 : i1
        %and3A_362 = arith.andi %ne3A_361, %ne3A_356 : i1
        %add3A_363 = arith.addi %rem3A_354, %select_n3A_353 : i32
        %select_n3A_364 = arith.select %and3A_362, %add3A_363, %rem3A_354 : i32
        %dma_start3A_365 = arith.constant 0 : i32
        %dma_start3A_366 = arith.constant 1 : i32
        %dma_start3A_367 = arith.constant 200 : i32
        %dma_start3A_368 = arith.constant 0 : i32
        %dma_start3A_369 = tpu.memref_slice %arg7[%dma_start3A_366, %dma_start3A_367, %dma_start3A_368] : memref<2x800x32xf32, #tpu.memory_space<vmem>> -> memref<1x128x32xf32, #tpu.memory_space<vmem>>
        %dma_start3A_370 = tpu.memref_squeeze %dma_start3A_369 : memref<1x128x32xf32, #tpu.memory_space<vmem>> -> memref<128x32xf32, #tpu.memory_space<vmem>>
        %dma_start3A_371 = arith.constant 0 : i32
        %dma_start3A_372 = tpu.memref_slice %arg6[%select_n3A_348, %dma_start3A_365, %select_n3A_364, %dma_start3A_371] : memref<16x2x8x128xi32, #tpu.memory_space<vmem>> -> memref<1x1x1x128xi32, #tpu.memory_space<vmem>>
        %dma_start3A_373 = tpu.memref_squeeze %dma_start3A_372 : memref<1x1x1x128xi32, #tpu.memory_space<vmem>> -> memref<128xi32, #tpu.memory_space<vmem>>
        %dma_start3A_374 = arith.constant 0 : i32
        %dma_start3A_375 = arith.constant 0 : i32
        %dma_start3A_376 = tpu.memref_slice %arg2[%dma_start3A_374, %dma_start3A_375] : memref<1007616x32xf32, #tpu.memory_space<hbm>> -> memref<1007616x32xf32, #tpu.memory_space<hbm>>
        tpu.enqueue_indirect_dma source(%dma_start3A_376 : memref<1007616x32xf32, #tpu.memory_space<hbm>>) target(%dma_start3A_370 : memref<128x32xf32, #tpu.memory_space<vmem>>) offsets(%dma_start3A_373 : memref<128xi32, #tpu.memory_space<vmem>>) semaphore(%arg10 : memref<!tpu.dma_semaphore, #tpu.memory_space<semaphore_mem>>)
        %dma_start3A_377 = arith.constant 1 : i32
        %dma_start3A_378 = arith.constant 1 : i32
        %dma_start3A_379 = arith.constant 328 : i32
        %dma_start3A_380 = arith.constant 0 : i32
        %dma_start3A_381 = tpu.memref_slice %arg7[%dma_start3A_378, %dma_start3A_379, %dma_start3A_380] : memref<2x800x32xf32, #tpu.memory_space<vmem>> -> memref<1x72x32xf32, #tpu.memory_space<vmem>>
        %dma_start3A_382 = tpu.memref_squeeze %dma_start3A_381 : memref<1x72x32xf32, #tpu.memory_space<vmem>> -> memref<72x32xf32, #tpu.memory_space<vmem>>
        %dma_start3A_383 = arith.constant 0 : i32
        %dma_start3A_384 = tpu.memref_slice %arg6[%select_n3A_348, %dma_start3A_377, %select_n3A_364, %dma_start3A_383] : memref<16x2x8x128xi32, #tpu.memory_space<vmem>> -> memref<1x1x1x72xi32, #tpu.memory_space<vmem>>
        %dma_start3A_385 = tpu.memref_squeeze %dma_start3A_384 : memref<1x1x1x72xi32, #tpu.memory_space<vmem>> -> memref<72xi32, #tpu.memory_space<vmem>>
        %dma_start3A_386 = arith.constant 0 : i32
        %dma_start3A_387 = arith.constant 0 : i32
        %dma_start3A_388 = tpu.memref_slice %arg2[%dma_start3A_386, %dma_start3A_387] : memref<1007616x32xf32, #tpu.memory_space<hbm>> -> memref<1007616x32xf32, #tpu.memory_space<hbm>>
        tpu.enqueue_indirect_dma source(%dma_start3A_388 : memref<1007616x32xf32, #tpu.memory_space<hbm>>) target(%dma_start3A_382 : memref<72x32xf32, #tpu.memory_space<vmem>>) offsets(%dma_start3A_385 : memref<72xi32, #tpu.memory_space<vmem>>) semaphore(%arg10 : memref<!tpu.dma_semaphore, #tpu.memory_space<semaphore_mem>>)
        %mul3A_389 = arith.constant 4 : i32
        %mul3A_390 = arith.muli %mul3A_389, %add3A_261 : i32
        %add3A_391 = arith.constant 2 : i32
        %add3A_392 = arith.addi %mul3A_390, %add3A_391 : i32
        %jit3A_393 = arith.constant 8 : i32
        %div3A_394 = arith.divsi %add3A_392, %jit3A_393 : i32
        %sign3A_395 = arith.constant 0 : i32
        %sign3A_396 = arith.cmpi sgt, %add3A_392, %sign3A_395 : i32
        %sign3A_397 = arith.extui %sign3A_396 : i1 to i32
        %sign3A_398 = arith.constant 0 : i32
        %sign3A_399 = arith.cmpi slt, %add3A_392, %sign3A_398 : i32
        %sign3A_400 = arith.extui %sign3A_399 : i1 to i32
        %sign3A_401 = arith.subi %sign3A_397, %sign3A_400 : i32
        %sign3A_402 = arith.constant 0 : i32
        %sign3A_403 = arith.cmpi sgt, %jit3A_393, %sign3A_402 : i32
        %sign3A_404 = arith.extui %sign3A_403 : i1 to i32
        %sign3A_405 = arith.constant 0 : i32
        %sign3A_406 = arith.cmpi slt, %jit3A_393, %sign3A_405 : i32
        %sign3A_407 = arith.extui %sign3A_406 : i1 to i32
        %sign3A_408 = arith.subi %sign3A_404, %sign3A_407 : i32
        %ne3A_409 = arith.cmpi ne, %sign3A_401, %sign3A_408 : i32
        %rem3A_410 = arith.remsi %add3A_392, %jit3A_393 : i32
        %ne3A_411 = arith.constant 0 : i32
        %ne3A_412 = arith.cmpi ne, %rem3A_410, %ne3A_411 : i32
        %and3A_413 = arith.andi %ne3A_409, %ne3A_412 : i1
        %sub3A_414 = arith.constant 1 : i32
        %sub3A_415 = arith.subi %div3A_394, %sub3A_414 : i32
        %select_n3A_416 = arith.select %and3A_413, %sub3A_415, %div3A_394 : i32
        %jit3A_417 = arith.constant 8 : i32
        %eq3A_418 = arith.constant 0 : i32
        %eq3A_419 = arith.cmpi eq, %jit3A_417, %eq3A_418 : i32
        %jit3A_420 = arith.constant 1 : i32
        %select_n3A_421 = arith.select %eq3A_419, %jit3A_420, %jit3A_417 : i32
        %rem3A_422 = arith.remsi %add3A_392, %select_n3A_421 : i32
        %ne3A_423 = arith.constant 0 : i32
        %ne3A_424 = arith.cmpi ne, %rem3A_422, %ne3A_423 : i32
        %lt3A_425 = arith.constant 0 : i32
        %lt3A_426 = arith.cmpi slt, %rem3A_422, %lt3A_425 : i32
        %lt3A_427 = arith.constant 0 : i32
        %lt3A_428 = arith.cmpi slt, %select_n3A_421, %lt3A_427 : i32
        %ne3A_429 = arith.xori %lt3A_426, %lt3A_428 : i1
        %and3A_430 = arith.andi %ne3A_429, %ne3A_424 : i1
        %add3A_431 = arith.addi %rem3A_422, %select_n3A_421 : i32
        %select_n3A_432 = arith.select %and3A_430, %add3A_431, %rem3A_422 : i32
        %dma_start3A_433 = arith.constant 0 : i32
        %dma_start3A_434 = arith.constant 1 : i32
        %dma_start3A_435 = arith.constant 400 : i32
        %dma_start3A_436 = arith.constant 0 : i32
        %dma_start3A_437 = tpu.memref_slice %arg7[%dma_start3A_434, %dma_start3A_435, %dma_start3A_436] : memref<2x800x32xf32, #tpu.memory_space<vmem>> -> memref<1x128x32xf32, #tpu.memory_space<vmem>>
        %dma_start3A_438 = tpu.memref_squeeze %dma_start3A_437 : memref<1x128x32xf32, #tpu.memory_space<vmem>> -> memref<128x32xf32, #tpu.memory_space<vmem>>
        %dma_start3A_439 = arith.constant 0 : i32
        %dma_start3A_440 = tpu.memref_slice %arg6[%select_n3A_416, %dma_start3A_433, %select_n3A_432, %dma_start3A_439] : memref<16x2x8x128xi32, #tpu.memory_space<vmem>> -> memref<1x1x1x128xi32, #tpu.memory_space<vmem>>
        %dma_start3A_441 = tpu.memref_squeeze %dma_start3A_440 : memref<1x1x1x128xi32, #tpu.memory_space<vmem>> -> memref<128xi32, #tpu.memory_space<vmem>>
        %dma_start3A_442 = arith.constant 0 : i32
        %dma_start3A_443 = arith.constant 0 : i32
        %dma_start3A_444 = tpu.memref_slice %arg2[%dma_start3A_442, %dma_start3A_443] : memref<1007616x32xf32, #tpu.memory_space<hbm>> -> memref<1007616x32xf32, #tpu.memory_space<hbm>>
        tpu.enqueue_indirect_dma source(%dma_start3A_444 : memref<1007616x32xf32, #tpu.memory_space<hbm>>) target(%dma_start3A_438 : memref<128x32xf32, #tpu.memory_space<vmem>>) offsets(%dma_start3A_441 : memref<128xi32, #tpu.memory_space<vmem>>) semaphore(%arg10 : memref<!tpu.dma_semaphore, #tpu.memory_space<semaphore_mem>>)
        %dma_start3A_445 = arith.constant 1 : i32
        %dma_start3A_446 = arith.constant 1 : i32
        %dma_start3A_447 = arith.constant 528 : i32
        %dma_start3A_448 = arith.constant 0 : i32
        %dma_start3A_449 = tpu.memref_slice %arg7[%dma_start3A_446, %dma_start3A_447, %dma_start3A_448] : memref<2x800x32xf32, #tpu.memory_space<vmem>> -> memref<1x72x32xf32, #tpu.memory_space<vmem>>
        %dma_start3A_450 = tpu.memref_squeeze %dma_start3A_449 : memref<1x72x32xf32, #tpu.memory_space<vmem>> -> memref<72x32xf32, #tpu.memory_space<vmem>>
        %dma_start3A_451 = arith.constant 0 : i32
        %dma_start3A_452 = tpu.memref_slice %arg6[%select_n3A_416, %dma_start3A_445, %select_n3A_432, %dma_start3A_451] : memref<16x2x8x128xi32, #tpu.memory_space<vmem>> -> memref<1x1x1x72xi32, #tpu.memory_space<vmem>>
        %dma_start3A_453 = tpu.memref_squeeze %dma_start3A_452 : memref<1x1x1x72xi32, #tpu.memory_space<vmem>> -> memref<72xi32, #tpu.memory_space<vmem>>
        %dma_start3A_454 = arith.constant 0 : i32
        %dma_start3A_455 = arith.constant 0 : i32
        %dma_start3A_456 = tpu.memref_slice %arg2[%dma_start3A_454, %dma_start3A_455] : memref<1007616x32xf32, #tpu.memory_space<hbm>> -> memref<1007616x32xf32, #tpu.memory_space<hbm>>
        tpu.enqueue_indirect_dma source(%dma_start3A_456 : memref<1007616x32xf32, #tpu.memory_space<hbm>>) target(%dma_start3A_450 : memref<72x32xf32, #tpu.memory_space<vmem>>) offsets(%dma_start3A_453 : memref<72xi32, #tpu.memory_space<vmem>>) semaphore(%arg10 : memref<!tpu.dma_semaphore, #tpu.memory_space<semaphore_mem>>)
        %mul3A_457 = arith.constant 4 : i32
        %mul3A_458 = arith.muli %mul3A_457, %add3A_261 : i32
        %add3A_459 = arith.constant 3 : i32
        %add3A_460 = arith.addi %mul3A_458, %add3A_459 : i32
        %jit3A_461 = arith.constant 8 : i32
        %div3A_462 = arith.divsi %add3A_460, %jit3A_461 : i32
        %sign3A_463 = arith.constant 0 : i32
        %sign3A_464 = arith.cmpi sgt, %add3A_460, %sign3A_463 : i32
        %sign3A_465 = arith.extui %sign3A_464 : i1 to i32
        %sign3A_466 = arith.constant 0 : i32
        %sign3A_467 = arith.cmpi slt, %add3A_460, %sign3A_466 : i32
        %sign3A_468 = arith.extui %sign3A_467 : i1 to i32
        %sign3A_469 = arith.subi %sign3A_465, %sign3A_468 : i32
        %sign3A_470 = arith.constant 0 : i32
        %sign3A_471 = arith.cmpi sgt, %jit3A_461, %sign3A_470 : i32
        %sign3A_472 = arith.extui %sign3A_471 : i1 to i32
        %sign3A_473 = arith.constant 0 : i32
        %sign3A_474 = arith.cmpi slt, %jit3A_461, %sign3A_473 : i32
        %sign3A_475 = arith.extui %sign3A_474 : i1 to i32
        %sign3A_476 = arith.subi %sign3A_472, %sign3A_475 : i32
        %ne3A_477 = arith.cmpi ne, %sign3A_469, %sign3A_476 : i32
        %rem3A_478 = arith.remsi %add3A_460, %jit3A_461 : i32
        %ne3A_479 = arith.constant 0 : i32
        %ne3A_480 = arith.cmpi ne, %rem3A_478, %ne3A_479 : i32
        %and3A_481 = arith.andi %ne3A_477, %ne3A_480 : i1
        %sub3A_482 = arith.constant 1 : i32
        %sub3A_483 = arith.subi %div3A_462, %sub3A_482 : i32
        %select_n3A_484 = arith.select %and3A_481, %sub3A_483, %div3A_462 : i32
        %jit3A_485 = arith.constant 8 : i32
        %eq3A_486 = arith.constant 0 : i32
        %eq3A_487 = arith.cmpi eq, %jit3A_485, %eq3A_486 : i32
        %jit3A_488 = arith.constant 1 : i32
        %select_n3A_489 = arith.select %eq3A_487, %jit3A_488, %jit3A_485 : i32
        %rem3A_490 = arith.remsi %add3A_460, %select_n3A_489 : i32
        %ne3A_491 = arith.constant 0 : i32
        %ne3A_492 = arith.cmpi ne, %rem3A_490, %ne3A_491 : i32
        %lt3A_493 = arith.constant 0 : i32
        %lt3A_494 = arith.cmpi slt, %rem3A_490, %lt3A_493 : i32
        %lt3A_495 = arith.constant 0 : i32
        %lt3A_496 = arith.cmpi slt, %select_n3A_489, %lt3A_495 : i32
        %ne3A_497 = arith.xori %lt3A_494, %lt3A_496 : i1
        %and3A_498 = arith.andi %ne3A_497, %ne3A_492 : i1
        %add3A_499 = arith.addi %rem3A_490, %select_n3A_489 : i32
        %select_n3A_500 = arith.select %and3A_498, %add3A_499, %rem3A_490 : i32
        %dma_start3A_501 = arith.constant 0 : i32
        %dma_start3A_502 = arith.constant 1 : i32
        %dma_start3A_503 = arith.constant 600 : i32
        %dma_start3A_504 = arith.constant 0 : i32
        %dma_start3A_505 = tpu.memref_slice %arg7[%dma_start3A_502, %dma_start3A_503, %dma_start3A_504] : memref<2x800x32xf32, #tpu.memory_space<vmem>> -> memref<1x128x32xf32, #tpu.memory_space<vmem>>
        %dma_start3A_506 = tpu.memref_squeeze %dma_start3A_505 : memref<1x128x32xf32, #tpu.memory_space<vmem>> -> memref<128x32xf32, #tpu.memory_space<vmem>>
        %dma_start3A_507 = arith.constant 0 : i32
        %dma_start3A_508 = tpu.memref_slice %arg6[%select_n3A_484, %dma_start3A_501, %select_n3A_500, %dma_start3A_507] : memref<16x2x8x128xi32, #tpu.memory_space<vmem>> -> memref<1x1x1x128xi32, #tpu.memory_space<vmem>>
        %dma_start3A_509 = tpu.memref_squeeze %dma_start3A_508 : memref<1x1x1x128xi32, #tpu.memory_space<vmem>> -> memref<128xi32, #tpu.memory_space<vmem>>
        %dma_start3A_510 = arith.constant 0 : i32
        %dma_start3A_511 = arith.constant 0 : i32
        %dma_start3A_512 = tpu.memref_slice %arg2[%dma_start3A_510, %dma_start3A_511] : memref<1007616x32xf32, #tpu.memory_space<hbm>> -> memref<1007616x32xf32, #tpu.memory_space<hbm>>
        tpu.enqueue_indirect_dma source(%dma_start3A_512 : memref<1007616x32xf32, #tpu.memory_space<hbm>>) target(%dma_start3A_506 : memref<128x32xf32, #tpu.memory_space<vmem>>) offsets(%dma_start3A_509 : memref<128xi32, #tpu.memory_space<vmem>>) semaphore(%arg10 : memref<!tpu.dma_semaphore, #tpu.memory_space<semaphore_mem>>)
        %dma_start3A_513 = arith.constant 1 : i32
        %dma_start3A_514 = arith.constant 1 : i32
        %dma_start3A_515 = arith.constant 728 : i32
        %dma_start3A_516 = arith.constant 0 : i32
        %dma_start3A_517 = tpu.memref_slice %arg7[%dma_start3A_514, %dma_start3A_515, %dma_start3A_516] : memref<2x800x32xf32, #tpu.memory_space<vmem>> -> memref<1x72x32xf32, #tpu.memory_space<vmem>>
        %dma_start3A_518 = tpu.memref_squeeze %dma_start3A_517 : memref<1x72x32xf32, #tpu.memory_space<vmem>> -> memref<72x32xf32, #tpu.memory_space<vmem>>
        %dma_start3A_519 = arith.constant 0 : i32
        %dma_start3A_520 = tpu.memref_slice %arg6[%select_n3A_484, %dma_start3A_513, %select_n3A_500, %dma_start3A_519] : memref<16x2x8x128xi32, #tpu.memory_space<vmem>> -> memref<1x1x1x72xi32, #tpu.memory_space<vmem>>
        %dma_start3A_521 = tpu.memref_squeeze %dma_start3A_520 : memref<1x1x1x72xi32, #tpu.memory_space<vmem>> -> memref<72xi32, #tpu.memory_space<vmem>>
        %dma_start3A_522 = arith.constant 0 : i32
        %dma_start3A_523 = arith.constant 0 : i32
        %dma_start3A_524 = tpu.memref_slice %arg2[%dma_start3A_522, %dma_start3A_523] : memref<1007616x32xf32, #tpu.memory_space<hbm>> -> memref<1007616x32xf32, #tpu.memory_space<hbm>>
        tpu.enqueue_indirect_dma source(%dma_start3A_524 : memref<1007616x32xf32, #tpu.memory_space<hbm>>) target(%dma_start3A_518 : memref<72x32xf32, #tpu.memory_space<vmem>>) offsets(%dma_start3A_521 : memref<72xi32, #tpu.memory_space<vmem>>) semaphore(%arg10 : memref<!tpu.dma_semaphore, #tpu.memory_space<semaphore_mem>>)
      } else {
      }
      %dma_wait3A_163 = arith.constant 0 : i32
      %dma_wait3A_164 = arith.constant 0 : i32
      %dma_wait3A_165 = arith.constant 0 : i32
      %dma_wait3A_166 = arith.constant 0 : i32
      %dma_wait3A_167 = tpu.memref_slice %arg7[%dma_wait3A_164, %dma_wait3A_165, %dma_wait3A_166] : memref<2x800x32xf32, #tpu.memory_space<vmem>> -> memref<1x800x32xf32, #tpu.memory_space<vmem>>
      %dma_wait3A_168 = tpu.memref_squeeze %dma_wait3A_167 : memref<1x800x32xf32, #tpu.memory_space<vmem>> -> memref<800x32xf32, #tpu.memory_space<vmem>>
      %dma_wait3A_169 = arith.constant 0 : i32
      %dma_wait3A_170 = arith.constant 0 : i32
      %dma_wait3A_171 = tpu.memref_slice %arg5[%add3A, %dma_wait3A_163, %dma_wait3A_169, %dma_wait3A_170] : memref<32x32x800x32xf32, #tpu.memory_space<hbm>> -> memref<1x1x800x32xf32, #tpu.memory_space<hbm>>
      %dma_wait3A_172 = tpu.memref_squeeze %dma_wait3A_171 : memref<1x1x800x32xf32, #tpu.memory_space<hbm>> -> memref<800x32xf32, #tpu.memory_space<hbm>>
      %dma_wait3A_173 = arith.constant 0 : i32
      %dma_wait3A_174 = arith.constant 0 : i32
      %dma_wait3A_175 = tpu.memref_slice %arg7[%dma_wait3A_164, %dma_wait3A_173, %dma_wait3A_174] : memref<2x800x32xf32, #tpu.memory_space<vmem>> -> memref<1x800x32xf32, #tpu.memory_space<vmem>>
      %dma_wait3A_176 = tpu.memref_squeeze %dma_wait3A_175 : memref<1x800x32xf32, #tpu.memory_space<vmem>> -> memref<800x32xf32, #tpu.memory_space<vmem>>
      %dma_wait3A_177 = arith.constant 0 : i32
      %dma_wait3A_178 = arith.constant 0 : i32
      %dma_wait3A_179 = tpu.memref_slice %arg5[%add3A, %dma_wait3A_163, %dma_wait3A_177, %dma_wait3A_178] : memref<32x32x800x32xf32, #tpu.memory_space<hbm>> -> memref<1x1x800x32xf32, #tpu.memory_space<hbm>>
      %dma_wait3A_180 = tpu.memref_squeeze %dma_wait3A_179 : memref<1x1x800x32xf32, #tpu.memory_space<hbm>> -> memref<800x32xf32, #tpu.memory_space<hbm>>
      tpu.wait_dma2 semaphore(%arg9 : memref<!tpu.dma_semaphore, #tpu.memory_space<semaphore_mem>>) src(%dma_wait3A_180 : memref<800x32xf32, #tpu.memory_space<hbm>>) dst(%dma_wait3A_176 : memref<800x32xf32, #tpu.memory_space<vmem>>)
      %scan3A_181 = arith.constant 0 : i32
      %scan3A_182 = arith.constant 0 : i32
      %scan3A_183 = arith.constant 200 : i32
      %scan3A_184 = arith.addi %scan3A_182, %scan3A_183 : i32
      %scan3A_185 = arith.constant 1 : i32
      scf.for %scan3A_256 = %scan3A_182 to %scan3A_184 step %scan3A_185  : i32 {
        %get3A = arith.index_cast %scan3A_256 : i32 to index
        %get3A_257 = arith.constant 0 : index
        %get3A_258 = tpu.vector_load %arg8[%get3A, %get3A_257] {strides = array<i32>} : memref<200x32xf32, #tpu.memory_space<vmem>>, vector<1x16xf32>,
        %get3A_259 = vector.shape_cast %get3A_258 : vector<1x16xf32> to vector<16xf32>
        %get3A_260 = arith.index_cast %scan3A_256 : i32 to index
        %get3A_261 = arith.constant 16 : index
        %get3A_262 = tpu.vector_load %arg8[%get3A_260, %get3A_261] {strides = array<i32>} : memref<200x32xf32, #tpu.memory_space<vmem>>, vector<1x16xf32>,
        %get3A_263 = vector.shape_cast %get3A_262 : vector<1x16xf32> to vector<16xf32>
        %add3A_264 = arith.constant 0 : i32
        %add3A_265 = arith.addi %add3A_264, %scan3A_256 : i32
        %get3A_266 = arith.constant 0 : i32
        %get3A_267 = arith.index_cast %get3A_266 : i32 to index
        %get3A_268 = arith.index_cast %add3A_265 : i32 to index
        %get3A_269 = arith.constant 0 : index
        %get3A_270 = tpu.vector_load %arg7[%get3A_267, %get3A_268, %get3A_269] {strides = array<i32>} : memref<2x800x32xf32, #tpu.memory_space<vmem>>, vector<1x1x16xf32>,
        %get3A_271 = vector.shape_cast %get3A_270 : vector<1x1x16xf32> to vector<16xf32>
        %add3A_272 = arith.addf %get3A_271, %get3A_259 : vector<16xf32>
        %swap3A = arith.constant 0 : i32
        %swap3A_273 = arith.index_cast %swap3A : i32 to index
        %swap3A_274 = arith.index_cast %add3A_265 : i32 to index
        %swap3A_275 = arith.constant 0 : index
        %swap3A_276 = tpu.vector_load %arg7[%swap3A_273, %swap3A_274, %swap3A_275] {strides = array<i32>} : memref<2x800x32xf32, #tpu.memory_space<vmem>>, vector<1x1x16xf32>,
        %swap3A_277 = vector.shape_cast %swap3A_276 : vector<1x1x16xf32> to vector<16xf32>
        %swap3A_278 = vector.shape_cast %add3A_272 : vector<16xf32> to vector<1x1x16xf32>
        tpu.vector_store %arg7[%swap3A_273, %swap3A_274, %swap3A_275], %swap3A_278 {strides = array<i32>} : memref<2x800x32xf32, #tpu.memory_space<vmem>>, vector<1x1x16xf32>,
        %get3A_279 = arith.constant 0 : i32
        %get3A_280 = arith.index_cast %get3A_279 : i32 to index
        %get3A_281 = arith.index_cast %add3A_265 : i32 to index
        %get3A_282 = arith.constant 16 : index
        %get3A_283 = tpu.vector_load %arg7[%get3A_280, %get3A_281, %get3A_282] {strides = array<i32>} : memref<2x800x32xf32, #tpu.memory_space<vmem>>, vector<1x1x16xf32>,
        %get3A_284 = vector.shape_cast %get3A_283 : vector<1x1x16xf32> to vector<16xf32>
        %add3A_285 = arith.addf %get3A_284, %get3A_263 : vector<16xf32>
        %swap3A_286 = arith.constant 0 : i32
        %swap3A_287 = arith.index_cast %swap3A_286 : i32 to index
        %swap3A_288 = arith.index_cast %add3A_265 : i32 to index
        %swap3A_289 = arith.constant 16 : index
        %swap3A_290 = tpu.vector_load %arg7[%swap3A_287, %swap3A_288, %swap3A_289] {strides = array<i32>} : memref<2x800x32xf32, #tpu.memory_space<vmem>>, vector<1x1x16xf32>,
        %swap3A_291 = vector.shape_cast %swap3A_290 : vector<1x1x16xf32> to vector<16xf32>
        %swap3A_292 = vector.shape_cast %add3A_285 : vector<16xf32> to vector<1x1x16xf32>
        tpu.vector_store %arg7[%swap3A_287, %swap3A_288, %swap3A_289], %swap3A_292 {strides = array<i32>} : memref<2x800x32xf32, #tpu.memory_space<vmem>>, vector<1x1x16xf32>,
        %add3A_293 = arith.constant 200 : i32
        %add3A_294 = arith.addi %add3A_293, %scan3A_256 : i32
        %get3A_295 = arith.constant 0 : i32
        %get3A_296 = arith.index_cast %get3A_295 : i32 to index
        %get3A_297 = arith.index_cast %add3A_294 : i32 to index
        %get3A_298 = arith.constant 0 : index
        %get3A_299 = tpu.vector_load %arg7[%get3A_296, %get3A_297, %get3A_298] {strides = array<i32>} : memref<2x800x32xf32, #tpu.memory_space<vmem>>, vector<1x1x16xf32>,
        %get3A_300 = vector.shape_cast %get3A_299 : vector<1x1x16xf32> to vector<16xf32>
        %add3A_301 = arith.addf %get3A_300, %get3A_259 : vector<16xf32>
        %swap3A_302 = arith.constant 0 : i32
        %swap3A_303 = arith.index_cast %swap3A_302 : i32 to index
        %swap3A_304 = arith.index_cast %add3A_294 : i32 to index
        %swap3A_305 = arith.constant 0 : index
        %swap3A_306 = tpu.vector_load %arg7[%swap3A_303, %swap3A_304, %swap3A_305] {strides = array<i32>} : memref<2x800x32xf32, #tpu.memory_space<vmem>>, vector<1x1x16xf32>,
        %swap3A_307 = vector.shape_cast %swap3A_306 : vector<1x1x16xf32> to vector<16xf32>
        %swap3A_308 = vector.shape_cast %add3A_301 : vector<16xf32> to vector<1x1x16xf32>
        tpu.vector_store %arg7[%swap3A_303, %swap3A_304, %swap3A_305], %swap3A_308 {strides = array<i32>} : memref<2x800x32xf32, #tpu.memory_space<vmem>>, vector<1x1x16xf32>,
        %get3A_309 = arith.constant 0 : i32
        %get3A_310 = arith.index_cast %get3A_309 : i32 to index
        %get3A_311 = arith.index_cast %add3A_294 : i32 to index
        %get3A_312 = arith.constant 16 : index
        %get3A_313 = tpu.vector_load %arg7[%get3A_310, %get3A_311, %get3A_312] {strides = array<i32>} : memref<2x800x32xf32, #tpu.memory_space<vmem>>, vector<1x1x16xf32>,
        %get3A_314 = vector.shape_cast %get3A_313 : vector<1x1x16xf32> to vector<16xf32>
        %add3A_315 = arith.addf %get3A_314, %get3A_263 : vector<16xf32>
        %swap3A_316 = arith.constant 0 : i32
        %swap3A_317 = arith.index_cast %swap3A_316 : i32 to index
        %swap3A_318 = arith.index_cast %add3A_294 : i32 to index
        %swap3A_319 = arith.constant 16 : index
        %swap3A_320 = tpu.vector_load %arg7[%swap3A_317, %swap3A_318, %swap3A_319] {strides = array<i32>} : memref<2x800x32xf32, #tpu.memory_space<vmem>>, vector<1x1x16xf32>,
        %swap3A_321 = vector.shape_cast %swap3A_320 : vector<1x1x16xf32> to vector<16xf32>
        %swap3A_322 = vector.shape_cast %add3A_315 : vector<16xf32> to vector<1x1x16xf32>
        tpu.vector_store %arg7[%swap3A_317, %swap3A_318, %swap3A_319], %swap3A_322 {strides = array<i32>} : memref<2x800x32xf32, #tpu.memory_space<vmem>>, vector<1x1x16xf32>,
        %add3A_323 = arith.constant 400 : i32
        %add3A_324 = arith.addi %add3A_323, %scan3A_256 : i32
        %get3A_325 = arith.constant 0 : i32
        %get3A_326 = arith.index_cast %get3A_325 : i32 to index
        %get3A_327 = arith.index_cast %add3A_324 : i32 to index
        %get3A_328 = arith.constant 0 : index
        %get3A_329 = tpu.vector_load %arg7[%get3A_326, %get3A_327, %get3A_328] {strides = array<i32>} : memref<2x800x32xf32, #tpu.memory_space<vmem>>, vector<1x1x16xf32>,
        %get3A_330 = vector.shape_cast %get3A_329 : vector<1x1x16xf32> to vector<16xf32>
        %add3A_331 = arith.addf %get3A_330, %get3A_259 : vector<16xf32>
        %swap3A_332 = arith.constant 0 : i32
        %swap3A_333 = arith.index_cast %swap3A_332 : i32 to index
        %swap3A_334 = arith.index_cast %add3A_324 : i32 to index
        %swap3A_335 = arith.constant 0 : index
        %swap3A_336 = tpu.vector_load %arg7[%swap3A_333, %swap3A_334, %swap3A_335] {strides = array<i32>} : memref<2x800x32xf32, #tpu.memory_space<vmem>>, vector<1x1x16xf32>,
        %swap3A_337 = vector.shape_cast %swap3A_336 : vector<1x1x16xf32> to vector<16xf32>
        %swap3A_338 = vector.shape_cast %add3A_331 : vector<16xf32> to vector<1x1x16xf32>
        tpu.vector_store %arg7[%swap3A_333, %swap3A_334, %swap3A_335], %swap3A_338 {strides = array<i32>} : memref<2x800x32xf32, #tpu.memory_space<vmem>>, vector<1x1x16xf32>,
        %get3A_339 = arith.constant 0 : i32
        %get3A_340 = arith.index_cast %get3A_339 : i32 to index
        %get3A_341 = arith.index_cast %add3A_324 : i32 to index
        %get3A_342 = arith.constant 16 : index
        %get3A_343 = tpu.vector_load %arg7[%get3A_340, %get3A_341, %get3A_342] {strides = array<i32>} : memref<2x800x32xf32, #tpu.memory_space<vmem>>, vector<1x1x16xf32>,
        %get3A_344 = vector.shape_cast %get3A_343 : vector<1x1x16xf32> to vector<16xf32>
        %add3A_345 = arith.addf %get3A_344, %get3A_263 : vector<16xf32>
        %swap3A_346 = arith.constant 0 : i32
        %swap3A_347 = arith.index_cast %swap3A_346 : i32 to index
        %swap3A_348 = arith.index_cast %add3A_324 : i32 to index
        %swap3A_349 = arith.constant 16 : index
        %swap3A_350 = tpu.vector_load %arg7[%swap3A_347, %swap3A_348, %swap3A_349] {strides = array<i32>} : memref<2x800x32xf32, #tpu.memory_space<vmem>>, vector<1x1x16xf32>,
        %swap3A_351 = vector.shape_cast %swap3A_350 : vector<1x1x16xf32> to vector<16xf32>
        %swap3A_352 = vector.shape_cast %add3A_345 : vector<16xf32> to vector<1x1x16xf32>
        tpu.vector_store %arg7[%swap3A_347, %swap3A_348, %swap3A_349], %swap3A_352 {strides = array<i32>} : memref<2x800x32xf32, #tpu.memory_space<vmem>>, vector<1x1x16xf32>,
        %add3A_353 = arith.constant 600 : i32
        %add3A_354 = arith.addi %add3A_353, %scan3A_256 : i32
        %get3A_355 = arith.constant 0 : i32
        %get3A_356 = arith.index_cast %get3A_355 : i32 to index
        %get3A_357 = arith.index_cast %add3A_354 : i32 to index
        %get3A_358 = arith.constant 0 : index
        %get3A_359 = tpu.vector_load %arg7[%get3A_356, %get3A_357, %get3A_358] {strides = array<i32>} : memref<2x800x32xf32, #tpu.memory_space<vmem>>, vector<1x1x16xf32>,
        %get3A_360 = vector.shape_cast %get3A_359 : vector<1x1x16xf32> to vector<16xf32>
        %add3A_361 = arith.addf %get3A_360, %get3A_259 : vector<16xf32>
        %swap3A_362 = arith.constant 0 : i32
        %swap3A_363 = arith.index_cast %swap3A_362 : i32 to index
        %swap3A_364 = arith.index_cast %add3A_354 : i32 to index
        %swap3A_365 = arith.constant 0 : index
        %swap3A_366 = tpu.vector_load %arg7[%swap3A_363, %swap3A_364, %swap3A_365] {strides = array<i32>} : memref<2x800x32xf32, #tpu.memory_space<vmem>>, vector<1x1x16xf32>,
        %swap3A_367 = vector.shape_cast %swap3A_366 : vector<1x1x16xf32> to vector<16xf32>
        %swap3A_368 = vector.shape_cast %add3A_361 : vector<16xf32> to vector<1x1x16xf32>
        tpu.vector_store %arg7[%swap3A_363, %swap3A_364, %swap3A_365], %swap3A_368 {strides = array<i32>} : memref<2x800x32xf32, #tpu.memory_space<vmem>>, vector<1x1x16xf32>,
        %get3A_369 = arith.constant 0 : i32
        %get3A_370 = arith.index_cast %get3A_369 : i32 to index
        %get3A_371 = arith.index_cast %add3A_354 : i32 to index
        %get3A_372 = arith.constant 16 : index
        %get3A_373 = tpu.vector_load %arg7[%get3A_370, %get3A_371, %get3A_372] {strides = array<i32>} : memref<2x800x32xf32, #tpu.memory_space<vmem>>, vector<1x1x16xf32>,
        %get3A_374 = vector.shape_cast %get3A_373 : vector<1x1x16xf32> to vector<16xf32>
        %add3A_375 = arith.addf %get3A_374, %get3A_263 : vector<16xf32>
        %swap3A_376 = arith.constant 0 : i32
        %swap3A_377 = arith.index_cast %swap3A_376 : i32 to index
        %swap3A_378 = arith.index_cast %add3A_354 : i32 to index
        %swap3A_379 = arith.constant 16 : index
        %swap3A_380 = tpu.vector_load %arg7[%swap3A_377, %swap3A_378, %swap3A_379] {strides = array<i32>} : memref<2x800x32xf32, #tpu.memory_space<vmem>>, vector<1x1x16xf32>,
        %swap3A_381 = vector.shape_cast %swap3A_380 : vector<1x1x16xf32> to vector<16xf32>
        %swap3A_382 = vector.shape_cast %add3A_375 : vector<16xf32> to vector<1x1x16xf32>
        tpu.vector_store %arg7[%swap3A_377, %swap3A_378, %swap3A_379], %swap3A_382 {strides = array<i32>} : memref<2x800x32xf32, #tpu.memory_space<vmem>>, vector<1x1x16xf32>,
      }
      %scan3A_186 = arith.constant 200 : i32
      %dma_start3A_187 = arith.constant 0 : i32
      %dma_start3A_188 = arith.constant 0 : i32
      %dma_start3A_189 = arith.constant 0 : i32
      %dma_start3A_190 = tpu.memref_slice %arg7[%dma_start3A_187, %dma_start3A_188, %dma_start3A_189] : memref<2x800x32xf32, #tpu.memory_space<vmem>> -> memref<1x800x32xf32, #tpu.memory_space<vmem>>
      %dma_start3A_191 = tpu.memref_squeeze %dma_start3A_190 : memref<1x800x32xf32, #tpu.memory_space<vmem>> -> memref<800x32xf32, #tpu.memory_space<vmem>>
      %dma_start3A_192 = arith.constant 0 : i32
      %dma_start3A_193 = arith.constant 0 : i32
      %dma_start3A_194 = tpu.memref_slice %arg5[%add3A, %add3A_158, %dma_start3A_192, %dma_start3A_193] : memref<32x32x800x32xf32, #tpu.memory_space<hbm>> -> memref<1x1x800x32xf32, #tpu.memory_space<hbm>>
      %dma_start3A_195 = tpu.memref_squeeze %dma_start3A_194 : memref<1x1x800x32xf32, #tpu.memory_space<hbm>> -> memref<800x32xf32, #tpu.memory_space<hbm>>
      %dma_start3A_196 = arith.constant 0 : i32
      %dma_start3A_197 = arith.constant 0 : i32
      %dma_start3A_198 = tpu.memref_slice %arg5[%add3A, %add3A_158, %dma_start3A_196, %dma_start3A_197] : memref<32x32x800x32xf32, #tpu.memory_space<hbm>> -> memref<1x1x800x32xf32, #tpu.memory_space<hbm>>
      %dma_start3A_199 = tpu.memref_squeeze %dma_start3A_198 : memref<1x1x800x32xf32, #tpu.memory_space<hbm>> -> memref<800x32xf32, #tpu.memory_space<hbm>>
      %dma_start3A_200 = arith.constant 0 : i32
      %dma_start3A_201 = arith.constant 0 : i32
      %dma_start3A_202 = tpu.memref_slice %arg7[%dma_start3A_187, %dma_start3A_200, %dma_start3A_201] : memref<2x800x32xf32, #tpu.memory_space<vmem>> -> memref<1x800x32xf32, #tpu.memory_space<vmem>>
      %dma_start3A_203 = tpu.memref_squeeze %dma_start3A_202 : memref<1x800x32xf32, #tpu.memory_space<vmem>> -> memref<800x32xf32, #tpu.memory_space<vmem>>
      tpu.enqueue_dma source(%dma_start3A_203 : memref<800x32xf32, #tpu.memory_space<vmem>>) target(%dma_start3A_199 : memref<800x32xf32, #tpu.memory_space<hbm>>) target_semaphore(%arg11 : memref<!tpu.dma_semaphore, #tpu.memory_space<semaphore_mem>>)
      %mul3A_204 = arith.constant 2 : i32
      %mul3A_205 = arith.muli %mul3A_204, %scan3A_154 : i32
      %add3A_206 = arith.constant 1 : i32
      %add3A_207 = arith.addi %mul3A_205, %add3A_206 : i32
      %add3A_208 = arith.constant 1 : i32
      %add3A_209 = arith.addi %add3A_207, %add3A_208 : i32
      %lt3A_210 = arith.constant 32 : i32
      %lt3A_211 = arith.cmpi slt, %add3A_209, %lt3A_210 : i32
      %convert_element_type3A_212 = arith.extui %lt3A_211 : i1 to i32
      %cond3A_213 = arith.constant 0 : i32
      %cond3A_214 = arith.cmpi ne, %convert_element_type3A_212, %cond3A_213 : i32
      scf.if %cond3A_214 {
        %ge3A = arith.constant 1 : i32
        %ge3A_256 = arith.cmpi sge, %add3A_207, %ge3A : i32
        %convert_element_type3A_257 = arith.extui %ge3A_256 : i1 to i32
        %cond3A_258 = arith.constant 0 : i32
        %cond3A_259 = arith.cmpi ne, %convert_element_type3A_257, %cond3A_258 : i32
        scf.if %cond3A_259 {
          %dma_wait3A_525 = arith.constant 0 : i32
          %dma_wait3A_526 = arith.constant 0 : i32
          %dma_wait3A_527 = arith.constant 0 : i32
          %dma_wait3A_528 = arith.constant 0 : i32
          %dma_wait3A_529 = tpu.memref_slice %arg7[%dma_wait3A_525, %dma_wait3A_527, %dma_wait3A_528] : memref<2x800x32xf32, #tpu.memory_space<vmem>> -> memref<1x800x32xf32, #tpu.memory_space<vmem>>
          %dma_wait3A_530 = tpu.memref_squeeze %dma_wait3A_529 : memref<1x800x32xf32, #tpu.memory_space<vmem>> -> memref<800x32xf32, #tpu.memory_space<vmem>>
          %dma_wait3A_531 = arith.constant 0 : i32
          %dma_wait3A_532 = arith.constant 0 : i32
          %dma_wait3A_533 = tpu.memref_slice %arg5[%add3A, %dma_wait3A_526, %dma_wait3A_531, %dma_wait3A_532] : memref<32x32x800x32xf32, #tpu.memory_space<hbm>> -> memref<1x1x800x32xf32, #tpu.memory_space<hbm>>
          %dma_wait3A_534 = tpu.memref_squeeze %dma_wait3A_533 : memref<1x1x800x32xf32, #tpu.memory_space<hbm>> -> memref<800x32xf32, #tpu.memory_space<hbm>>
          %dma_wait3A_535 = arith.constant 0 : i32
          %dma_wait3A_536 = arith.constant 0 : i32
          %dma_wait3A_537 = tpu.memref_slice %arg5[%add3A, %dma_wait3A_526, %dma_wait3A_535, %dma_wait3A_536] : memref<32x32x800x32xf32, #tpu.memory_space<hbm>> -> memref<1x1x800x32xf32, #tpu.memory_space<hbm>>
          %dma_wait3A_538 = tpu.memref_squeeze %dma_wait3A_537 : memref<1x1x800x32xf32, #tpu.memory_space<hbm>> -> memref<800x32xf32, #tpu.memory_space<hbm>>
          %dma_wait3A_539 = arith.constant 0 : i32
          %dma_wait3A_540 = arith.constant 0 : i32
          %dma_wait3A_541 = tpu.memref_slice %arg7[%dma_wait3A_525, %dma_wait3A_539, %dma_wait3A_540] : memref<2x800x32xf32, #tpu.memory_space<vmem>> -> memref<1x800x32xf32, #tpu.memory_space<vmem>>
          %dma_wait3A_542 = tpu.memref_squeeze %dma_wait3A_541 : memref<1x800x32xf32, #tpu.memory_space<vmem>> -> memref<800x32xf32, #tpu.memory_space<vmem>>
          tpu.wait_dma2 semaphore(%arg11 : memref<!tpu.dma_semaphore, #tpu.memory_space<semaphore_mem>>) src(%dma_wait3A_542 : memref<800x32xf32, #tpu.memory_space<vmem>>) dst(%dma_wait3A_538 : memref<800x32xf32, #tpu.memory_space<hbm>>)
        } else {
        }
        %add3A_260 = arith.constant 1 : i32
        %add3A_261 = arith.addi %add3A_207, %add3A_260 : i32
        %mul3A_262 = arith.constant 4 : i32
        %mul3A_263 = arith.muli %mul3A_262, %add3A_261 : i32
        %add3A_264 = arith.constant 0 : i32
        %add3A_265 = arith.addi %mul3A_263, %add3A_264 : i32
        %jit3A = arith.constant 8 : i32
        %div3A = arith.divsi %add3A_265, %jit3A : i32
        %sign3A = arith.constant 0 : i32
        %sign3A_266 = arith.cmpi sgt, %add3A_265, %sign3A : i32
        %sign3A_267 = arith.extui %sign3A_266 : i1 to i32
        %sign3A_268 = arith.constant 0 : i32
        %sign3A_269 = arith.cmpi slt, %add3A_265, %sign3A_268 : i32
        %sign3A_270 = arith.extui %sign3A_269 : i1 to i32
        %sign3A_271 = arith.subi %sign3A_267, %sign3A_270 : i32
        %sign3A_272 = arith.constant 0 : i32
        %sign3A_273 = arith.cmpi sgt, %jit3A, %sign3A_272 : i32
        %sign3A_274 = arith.extui %sign3A_273 : i1 to i32
        %sign3A_275 = arith.constant 0 : i32
        %sign3A_276 = arith.cmpi slt, %jit3A, %sign3A_275 : i32
        %sign3A_277 = arith.extui %sign3A_276 : i1 to i32
        %sign3A_278 = arith.subi %sign3A_274, %sign3A_277 : i32
        %ne3A = arith.cmpi ne, %sign3A_271, %sign3A_278 : i32
        %rem3A = arith.remsi %add3A_265, %jit3A : i32
        %ne3A_279 = arith.constant 0 : i32
        %ne3A_280 = arith.cmpi ne, %rem3A, %ne3A_279 : i32
        %and3A = arith.andi %ne3A, %ne3A_280 : i1
        %sub3A = arith.constant 1 : i32
        %sub3A_281 = arith.subi %div3A, %sub3A : i32
        %select_n3A = arith.select %and3A, %sub3A_281, %div3A : i32
        %jit3A_282 = arith.constant 8 : i32
        %eq3A = arith.constant 0 : i32
        %eq3A_283 = arith.cmpi eq, %jit3A_282, %eq3A : i32
        %jit3A_284 = arith.constant 1 : i32
        %select_n3A_285 = arith.select %eq3A_283, %jit3A_284, %jit3A_282 : i32
        %rem3A_286 = arith.remsi %add3A_265, %select_n3A_285 : i32
        %ne3A_287 = arith.constant 0 : i32
        %ne3A_288 = arith.cmpi ne, %rem3A_286, %ne3A_287 : i32
        %lt3A_289 = arith.constant 0 : i32
        %lt3A_290 = arith.cmpi slt, %rem3A_286, %lt3A_289 : i32
        %lt3A_291 = arith.constant 0 : i32
        %lt3A_292 = arith.cmpi slt, %select_n3A_285, %lt3A_291 : i32
        %ne3A_293 = arith.xori %lt3A_290, %lt3A_292 : i1
        %and3A_294 = arith.andi %ne3A_293, %ne3A_288 : i1
        %add3A_295 = arith.addi %rem3A_286, %select_n3A_285 : i32
        %select_n3A_296 = arith.select %and3A_294, %add3A_295, %rem3A_286 : i32
        %dma_start3A_297 = arith.constant 0 : i32
        %dma_start3A_298 = arith.constant 0 : i32
        %dma_start3A_299 = arith.constant 0 : i32
        %dma_start3A_300 = arith.constant 0 : i32
        %dma_start3A_301 = tpu.memref_slice %arg7[%dma_start3A_298, %dma_start3A_299, %dma_start3A_300] : memref<2x800x32xf32, #tpu.memory_space<vmem>> -> memref<1x128x32xf32, #tpu.memory_space<vmem>>
        %dma_start3A_302 = tpu.memref_squeeze %dma_start3A_301 : memref<1x128x32xf32, #tpu.memory_space<vmem>> -> memref<128x32xf32, #tpu.memory_space<vmem>>
        %dma_start3A_303 = arith.constant 0 : i32
        %dma_start3A_304 = tpu.memref_slice %arg6[%select_n3A, %dma_start3A_297, %select_n3A_296, %dma_start3A_303] : memref<16x2x8x128xi32, #tpu.memory_space<vmem>> -> memref<1x1x1x128xi32, #tpu.memory_space<vmem>>
        %dma_start3A_305 = tpu.memref_squeeze %dma_start3A_304 : memref<1x1x1x128xi32, #tpu.memory_space<vmem>> -> memref<128xi32, #tpu.memory_space<vmem>>
        %dma_start3A_306 = arith.constant 0 : i32
        %dma_start3A_307 = arith.constant 0 : i32
        %dma_start3A_308 = tpu.memref_slice %arg2[%dma_start3A_306, %dma_start3A_307] : memref<1007616x32xf32, #tpu.memory_space<hbm>> -> memref<1007616x32xf32, #tpu.memory_space<hbm>>
        tpu.enqueue_indirect_dma source(%dma_start3A_308 : memref<1007616x32xf32, #tpu.memory_space<hbm>>) target(%dma_start3A_302 : memref<128x32xf32, #tpu.memory_space<vmem>>) offsets(%dma_start3A_305 : memref<128xi32, #tpu.memory_space<vmem>>) semaphore(%arg9 : memref<!tpu.dma_semaphore, #tpu.memory_space<semaphore_mem>>)
        %dma_start3A_309 = arith.constant 1 : i32
        %dma_start3A_310 = arith.constant 0 : i32
        %dma_start3A_311 = arith.constant 128 : i32
        %dma_start3A_312 = arith.constant 0 : i32
        %dma_start3A_313 = tpu.memref_slice %arg7[%dma_start3A_310, %dma_start3A_311, %dma_start3A_312] : memref<2x800x32xf32, #tpu.memory_space<vmem>> -> memref<1x72x32xf32, #tpu.memory_space<vmem>>
        %dma_start3A_314 = tpu.memref_squeeze %dma_start3A_313 : memref<1x72x32xf32, #tpu.memory_space<vmem>> -> memref<72x32xf32, #tpu.memory_space<vmem>>
        %dma_start3A_315 = arith.constant 0 : i32
        %dma_start3A_316 = tpu.memref_slice %arg6[%select_n3A, %dma_start3A_309, %select_n3A_296, %dma_start3A_315] : memref<16x2x8x128xi32, #tpu.memory_space<vmem>> -> memref<1x1x1x72xi32, #tpu.memory_space<vmem>>
        %dma_start3A_317 = tpu.memref_squeeze %dma_start3A_316 : memref<1x1x1x72xi32, #tpu.memory_space<vmem>> -> memref<72xi32, #tpu.memory_space<vmem>>
        %dma_start3A_318 = arith.constant 0 : i32
        %dma_start3A_319 = arith.constant 0 : i32
        %dma_start3A_320 = tpu.memref_slice %arg2[%dma_start3A_318, %dma_start3A_319] : memref<1007616x32xf32, #tpu.memory_space<hbm>> -> memref<1007616x32xf32, #tpu.memory_space<hbm>>
        tpu.enqueue_indirect_dma source(%dma_start3A_320 : memref<1007616x32xf32, #tpu.memory_space<hbm>>) target(%dma_start3A_314 : memref<72x32xf32, #tpu.memory_space<vmem>>) offsets(%dma_start3A_317 : memref<72xi32, #tpu.memory_space<vmem>>) semaphore(%arg9 : memref<!tpu.dma_semaphore, #tpu.memory_space<semaphore_mem>>)
        %mul3A_321 = arith.constant 4 : i32
        %mul3A_322 = arith.muli %mul3A_321, %add3A_261 : i32
        %add3A_323 = arith.constant 1 : i32
        %add3A_324 = arith.addi %mul3A_322, %add3A_323 : i32
        %jit3A_325 = arith.constant 8 : i32
        %div3A_326 = arith.divsi %add3A_324, %jit3A_325 : i32
        %sign3A_327 = arith.constant 0 : i32
        %sign3A_328 = arith.cmpi sgt, %add3A_324, %sign3A_327 : i32
        %sign3A_329 = arith.extui %sign3A_328 : i1 to i32
        %sign3A_330 = arith.constant 0 : i32
        %sign3A_331 = arith.cmpi slt, %add3A_324, %sign3A_330 : i32
        %sign3A_332 = arith.extui %sign3A_331 : i1 to i32
        %sign3A_333 = arith.subi %sign3A_329, %sign3A_332 : i32
        %sign3A_334 = arith.constant 0 : i32
        %sign3A_335 = arith.cmpi sgt, %jit3A_325, %sign3A_334 : i32
        %sign3A_336 = arith.extui %sign3A_335 : i1 to i32
        %sign3A_337 = arith.constant 0 : i32
        %sign3A_338 = arith.cmpi slt, %jit3A_325, %sign3A_337 : i32
        %sign3A_339 = arith.extui %sign3A_338 : i1 to i32
        %sign3A_340 = arith.subi %sign3A_336, %sign3A_339 : i32
        %ne3A_341 = arith.cmpi ne, %sign3A_333, %sign3A_340 : i32
        %rem3A_342 = arith.remsi %add3A_324, %jit3A_325 : i32
        %ne3A_343 = arith.constant 0 : i32
        %ne3A_344 = arith.cmpi ne, %rem3A_342, %ne3A_343 : i32
        %and3A_345 = arith.andi %ne3A_341, %ne3A_344 : i1
        %sub3A_346 = arith.constant 1 : i32
        %sub3A_347 = arith.subi %div3A_326, %sub3A_346 : i32
        %select_n3A_348 = arith.select %and3A_345, %sub3A_347, %div3A_326 : i32
        %jit3A_349 = arith.constant 8 : i32
        %eq3A_350 = arith.constant 0 : i32
        %eq3A_351 = arith.cmpi eq, %jit3A_349, %eq3A_350 : i32
        %jit3A_352 = arith.constant 1 : i32
        %select_n3A_353 = arith.select %eq3A_351, %jit3A_352, %jit3A_349 : i32
        %rem3A_354 = arith.remsi %add3A_324, %select_n3A_353 : i32
        %ne3A_355 = arith.constant 0 : i32
        %ne3A_356 = arith.cmpi ne, %rem3A_354, %ne3A_355 : i32
        %lt3A_357 = arith.constant 0 : i32
        %lt3A_358 = arith.cmpi slt, %rem3A_354, %lt3A_357 : i32
        %lt3A_359 = arith.constant 0 : i32
        %lt3A_360 = arith.cmpi slt, %select_n3A_353, %lt3A_359 : i32
        %ne3A_361 = arith.xori %lt3A_358, %lt3A_360 : i1
        %and3A_362 = arith.andi %ne3A_361, %ne3A_356 : i1
        %add3A_363 = arith.addi %rem3A_354, %select_n3A_353 : i32
        %select_n3A_364 = arith.select %and3A_362, %add3A_363, %rem3A_354 : i32
        %dma_start3A_365 = arith.constant 0 : i32
        %dma_start3A_366 = arith.constant 0 : i32
        %dma_start3A_367 = arith.constant 200 : i32
        %dma_start3A_368 = arith.constant 0 : i32
        %dma_start3A_369 = tpu.memref_slice %arg7[%dma_start3A_366, %dma_start3A_367, %dma_start3A_368] : memref<2x800x32xf32, #tpu.memory_space<vmem>> -> memref<1x128x32xf32, #tpu.memory_space<vmem>>
        %dma_start3A_370 = tpu.memref_squeeze %dma_start3A_369 : memref<1x128x32xf32, #tpu.memory_space<vmem>> -> memref<128x32xf32, #tpu.memory_space<vmem>>
        %dma_start3A_371 = arith.constant 0 : i32
        %dma_start3A_372 = tpu.memref_slice %arg6[%select_n3A_348, %dma_start3A_365, %select_n3A_364, %dma_start3A_371] : memref<16x2x8x128xi32, #tpu.memory_space<vmem>> -> memref<1x1x1x128xi32, #tpu.memory_space<vmem>>
        %dma_start3A_373 = tpu.memref_squeeze %dma_start3A_372 : memref<1x1x1x128xi32, #tpu.memory_space<vmem>> -> memref<128xi32, #tpu.memory_space<vmem>>
        %dma_start3A_374 = arith.constant 0 : i32
        %dma_start3A_375 = arith.constant 0 : i32
        %dma_start3A_376 = tpu.memref_slice %arg2[%dma_start3A_374, %dma_start3A_375] : memref<1007616x32xf32, #tpu.memory_space<hbm>> -> memref<1007616x32xf32, #tpu.memory_space<hbm>>
        tpu.enqueue_indirect_dma source(%dma_start3A_376 : memref<1007616x32xf32, #tpu.memory_space<hbm>>) target(%dma_start3A_370 : memref<128x32xf32, #tpu.memory_space<vmem>>) offsets(%dma_start3A_373 : memref<128xi32, #tpu.memory_space<vmem>>) semaphore(%arg9 : memref<!tpu.dma_semaphore, #tpu.memory_space<semaphore_mem>>)
        %dma_start3A_377 = arith.constant 1 : i32
        %dma_start3A_378 = arith.constant 0 : i32
        %dma_start3A_379 = arith.constant 328 : i32
        %dma_start3A_380 = arith.constant 0 : i32
        %dma_start3A_381 = tpu.memref_slice %arg7[%dma_start3A_378, %dma_start3A_379, %dma_start3A_380] : memref<2x800x32xf32, #tpu.memory_space<vmem>> -> memref<1x72x32xf32, #tpu.memory_space<vmem>>
        %dma_start3A_382 = tpu.memref_squeeze %dma_start3A_381 : memref<1x72x32xf32, #tpu.memory_space<vmem>> -> memref<72x32xf32, #tpu.memory_space<vmem>>
        %dma_start3A_383 = arith.constant 0 : i32
        %dma_start3A_384 = tpu.memref_slice %arg6[%select_n3A_348, %dma_start3A_377, %select_n3A_364, %dma_start3A_383] : memref<16x2x8x128xi32, #tpu.memory_space<vmem>> -> memref<1x1x1x72xi32, #tpu.memory_space<vmem>>
        %dma_start3A_385 = tpu.memref_squeeze %dma_start3A_384 : memref<1x1x1x72xi32, #tpu.memory_space<vmem>> -> memref<72xi32, #tpu.memory_space<vmem>>
        %dma_start3A_386 = arith.constant 0 : i32
        %dma_start3A_387 = arith.constant 0 : i32
        %dma_start3A_388 = tpu.memref_slice %arg2[%dma_start3A_386, %dma_start3A_387] : memref<1007616x32xf32, #tpu.memory_space<hbm>> -> memref<1007616x32xf32, #tpu.memory_space<hbm>>
        tpu.enqueue_indirect_dma source(%dma_start3A_388 : memref<1007616x32xf32, #tpu.memory_space<hbm>>) target(%dma_start3A_382 : memref<72x32xf32, #tpu.memory_space<vmem>>) offsets(%dma_start3A_385 : memref<72xi32, #tpu.memory_space<vmem>>) semaphore(%arg9 : memref<!tpu.dma_semaphore, #tpu.memory_space<semaphore_mem>>)
        %mul3A_389 = arith.constant 4 : i32
        %mul3A_390 = arith.muli %mul3A_389, %add3A_261 : i32
        %add3A_391 = arith.constant 2 : i32
        %add3A_392 = arith.addi %mul3A_390, %add3A_391 : i32
        %jit3A_393 = arith.constant 8 : i32
        %div3A_394 = arith.divsi %add3A_392, %jit3A_393 : i32
        %sign3A_395 = arith.constant 0 : i32
        %sign3A_396 = arith.cmpi sgt, %add3A_392, %sign3A_395 : i32
        %sign3A_397 = arith.extui %sign3A_396 : i1 to i32
        %sign3A_398 = arith.constant 0 : i32
        %sign3A_399 = arith.cmpi slt, %add3A_392, %sign3A_398 : i32
        %sign3A_400 = arith.extui %sign3A_399 : i1 to i32
        %sign3A_401 = arith.subi %sign3A_397, %sign3A_400 : i32
        %sign3A_402 = arith.constant 0 : i32
        %sign3A_403 = arith.cmpi sgt, %jit3A_393, %sign3A_402 : i32
        %sign3A_404 = arith.extui %sign3A_403 : i1 to i32
        %sign3A_405 = arith.constant 0 : i32
        %sign3A_406 = arith.cmpi slt, %jit3A_393, %sign3A_405 : i32
        %sign3A_407 = arith.extui %sign3A_406 : i1 to i32
        %sign3A_408 = arith.subi %sign3A_404, %sign3A_407 : i32
        %ne3A_409 = arith.cmpi ne, %sign3A_401, %sign3A_408 : i32
        %rem3A_410 = arith.remsi %add3A_392, %jit3A_393 : i32
        %ne3A_411 = arith.constant 0 : i32
        %ne3A_412 = arith.cmpi ne, %rem3A_410, %ne3A_411 : i32
        %and3A_413 = arith.andi %ne3A_409, %ne3A_412 : i1
        %sub3A_414 = arith.constant 1 : i32
        %sub3A_415 = arith.subi %div3A_394, %sub3A_414 : i32
        %select_n3A_416 = arith.select %and3A_413, %sub3A_415, %div3A_394 : i32
        %jit3A_417 = arith.constant 8 : i32
        %eq3A_418 = arith.constant 0 : i32
        %eq3A_419 = arith.cmpi eq, %jit3A_417, %eq3A_418 : i32
        %jit3A_420 = arith.constant 1 : i32
        %select_n3A_421 = arith.select %eq3A_419, %jit3A_420, %jit3A_417 : i32
        %rem3A_422 = arith.remsi %add3A_392, %select_n3A_421 : i32
        %ne3A_423 = arith.constant 0 : i32
        %ne3A_424 = arith.cmpi ne, %rem3A_422, %ne3A_423 : i32
        %lt3A_425 = arith.constant 0 : i32
        %lt3A_426 = arith.cmpi slt, %rem3A_422, %lt3A_425 : i32
        %lt3A_427 = arith.constant 0 : i32
        %lt3A_428 = arith.cmpi slt, %select_n3A_421, %lt3A_427 : i32
        %ne3A_429 = arith.xori %lt3A_426, %lt3A_428 : i1
        %and3A_430 = arith.andi %ne3A_429, %ne3A_424 : i1
        %add3A_431 = arith.addi %rem3A_422, %select_n3A_421 : i32
        %select_n3A_432 = arith.select %and3A_430, %add3A_431, %rem3A_422 : i32
        %dma_start3A_433 = arith.constant 0 : i32
        %dma_start3A_434 = arith.constant 0 : i32
        %dma_start3A_435 = arith.constant 400 : i32
        %dma_start3A_436 = arith.constant 0 : i32
        %dma_start3A_437 = tpu.memref_slice %arg7[%dma_start3A_434, %dma_start3A_435, %dma_start3A_436] : memref<2x800x32xf32, #tpu.memory_space<vmem>> -> memref<1x128x32xf32, #tpu.memory_space<vmem>>
        %dma_start3A_438 = tpu.memref_squeeze %dma_start3A_437 : memref<1x128x32xf32, #tpu.memory_space<vmem>> -> memref<128x32xf32, #tpu.memory_space<vmem>>
        %dma_start3A_439 = arith.constant 0 : i32
        %dma_start3A_440 = tpu.memref_slice %arg6[%select_n3A_416, %dma_start3A_433, %select_n3A_432, %dma_start3A_439] : memref<16x2x8x128xi32, #tpu.memory_space<vmem>> -> memref<1x1x1x128xi32, #tpu.memory_space<vmem>>
        %dma_start3A_441 = tpu.memref_squeeze %dma_start3A_440 : memref<1x1x1x128xi32, #tpu.memory_space<vmem>> -> memref<128xi32, #tpu.memory_space<vmem>>
        %dma_start3A_442 = arith.constant 0 : i32
        %dma_start3A_443 = arith.constant 0 : i32
        %dma_start3A_444 = tpu.memref_slice %arg2[%dma_start3A_442, %dma_start3A_443] : memref<1007616x32xf32, #tpu.memory_space<hbm>> -> memref<1007616x32xf32, #tpu.memory_space<hbm>>
        tpu.enqueue_indirect_dma source(%dma_start3A_444 : memref<1007616x32xf32, #tpu.memory_space<hbm>>) target(%dma_start3A_438 : memref<128x32xf32, #tpu.memory_space<vmem>>) offsets(%dma_start3A_441 : memref<128xi32, #tpu.memory_space<vmem>>) semaphore(%arg9 : memref<!tpu.dma_semaphore, #tpu.memory_space<semaphore_mem>>)
        %dma_start3A_445 = arith.constant 1 : i32
        %dma_start3A_446 = arith.constant 0 : i32
        %dma_start3A_447 = arith.constant 528 : i32
        %dma_start3A_448 = arith.constant 0 : i32
        %dma_start3A_449 = tpu.memref_slice %arg7[%dma_start3A_446, %dma_start3A_447, %dma_start3A_448] : memref<2x800x32xf32, #tpu.memory_space<vmem>> -> memref<1x72x32xf32, #tpu.memory_space<vmem>>
        %dma_start3A_450 = tpu.memref_squeeze %dma_start3A_449 : memref<1x72x32xf32, #tpu.memory_space<vmem>> -> memref<72x32xf32, #tpu.memory_space<vmem>>
        %dma_start3A_451 = arith.constant 0 : i32
        %dma_start3A_452 = tpu.memref_slice %arg6[%select_n3A_416, %dma_start3A_445, %select_n3A_432, %dma_start3A_451] : memref<16x2x8x128xi32, #tpu.memory_space<vmem>> -> memref<1x1x1x72xi32, #tpu.memory_space<vmem>>
        %dma_start3A_453 = tpu.memref_squeeze %dma_start3A_452 : memref<1x1x1x72xi32, #tpu.memory_space<vmem>> -> memref<72xi32, #tpu.memory_space<vmem>>
        %dma_start3A_454 = arith.constant 0 : i32
        %dma_start3A_455 = arith.constant 0 : i32
        %dma_start3A_456 = tpu.memref_slice %arg2[%dma_start3A_454, %dma_start3A_455] : memref<1007616x32xf32, #tpu.memory_space<hbm>> -> memref<1007616x32xf32, #tpu.memory_space<hbm>>
        tpu.enqueue_indirect_dma source(%dma_start3A_456 : memref<1007616x32xf32, #tpu.memory_space<hbm>>) target(%dma_start3A_450 : memref<72x32xf32, #tpu.memory_space<vmem>>) offsets(%dma_start3A_453 : memref<72xi32, #tpu.memory_space<vmem>>) semaphore(%arg9 : memref<!tpu.dma_semaphore, #tpu.memory_space<semaphore_mem>>)
        %mul3A_457 = arith.constant 4 : i32
        %mul3A_458 = arith.muli %mul3A_457, %add3A_261 : i32
        %add3A_459 = arith.constant 3 : i32
        %add3A_460 = arith.addi %mul3A_458, %add3A_459 : i32
        %jit3A_461 = arith.constant 8 : i32
        %div3A_462 = arith.divsi %add3A_460, %jit3A_461 : i32
        %sign3A_463 = arith.constant 0 : i32
        %sign3A_464 = arith.cmpi sgt, %add3A_460, %sign3A_463 : i32
        %sign3A_465 = arith.extui %sign3A_464 : i1 to i32
        %sign3A_466 = arith.constant 0 : i32
        %sign3A_467 = arith.cmpi slt, %add3A_460, %sign3A_466 : i32
        %sign3A_468 = arith.extui %sign3A_467 : i1 to i32
        %sign3A_469 = arith.subi %sign3A_465, %sign3A_468 : i32
        %sign3A_470 = arith.constant 0 : i32
        %sign3A_471 = arith.cmpi sgt, %jit3A_461, %sign3A_470 : i32
        %sign3A_472 = arith.extui %sign3A_471 : i1 to i32
        %sign3A_473 = arith.constant 0 : i32
        %sign3A_474 = arith.cmpi slt, %jit3A_461, %sign3A_473 : i32
        %sign3A_475 = arith.extui %sign3A_474 : i1 to i32
        %sign3A_476 = arith.subi %sign3A_472, %sign3A_475 : i32
        %ne3A_477 = arith.cmpi ne, %sign3A_469, %sign3A_476 : i32
        %rem3A_478 = arith.remsi %add3A_460, %jit3A_461 : i32
        %ne3A_479 = arith.constant 0 : i32
        %ne3A_480 = arith.cmpi ne, %rem3A_478, %ne3A_479 : i32
        %and3A_481 = arith.andi %ne3A_477, %ne3A_480 : i1
        %sub3A_482 = arith.constant 1 : i32
        %sub3A_483 = arith.subi %div3A_462, %sub3A_482 : i32
        %select_n3A_484 = arith.select %and3A_481, %sub3A_483, %div3A_462 : i32
        %jit3A_485 = arith.constant 8 : i32
        %eq3A_486 = arith.constant 0 : i32
        %eq3A_487 = arith.cmpi eq, %jit3A_485, %eq3A_486 : i32
        %jit3A_488 = arith.constant 1 : i32
        %select_n3A_489 = arith.select %eq3A_487, %jit3A_488, %jit3A_485 : i32
        %rem3A_490 = arith.remsi %add3A_460, %select_n3A_489 : i32
        %ne3A_491 = arith.constant 0 : i32
        %ne3A_492 = arith.cmpi ne, %rem3A_490, %ne3A_491 : i32
        %lt3A_493 = arith.constant 0 : i32
        %lt3A_494 = arith.cmpi slt, %rem3A_490, %lt3A_493 : i32
        %lt3A_495 = arith.constant 0 : i32
        %lt3A_496 = arith.cmpi slt, %select_n3A_489, %lt3A_495 : i32
        %ne3A_497 = arith.xori %lt3A_494, %lt3A_496 : i1
        %and3A_498 = arith.andi %ne3A_497, %ne3A_492 : i1
        %add3A_499 = arith.addi %rem3A_490, %select_n3A_489 : i32
        %select_n3A_500 = arith.select %and3A_498, %add3A_499, %rem3A_490 : i32
        %dma_start3A_501 = arith.constant 0 : i32
        %dma_start3A_502 = arith.constant 0 : i32
        %dma_start3A_503 = arith.constant 600 : i32
        %dma_start3A_504 = arith.constant 0 : i32
        %dma_start3A_505 = tpu.memref_slice %arg7[%dma_start3A_502, %dma_start3A_503, %dma_start3A_504] : memref<2x800x32xf32, #tpu.memory_space<vmem>> -> memref<1x128x32xf32, #tpu.memory_space<vmem>>
        %dma_start3A_506 = tpu.memref_squeeze %dma_start3A_505 : memref<1x128x32xf32, #tpu.memory_space<vmem>> -> memref<128x32xf32, #tpu.memory_space<vmem>>
        %dma_start3A_507 = arith.constant 0 : i32
        %dma_start3A_508 = tpu.memref_slice %arg6[%select_n3A_484, %dma_start3A_501, %select_n3A_500, %dma_start3A_507] : memref<16x2x8x128xi32, #tpu.memory_space<vmem>> -> memref<1x1x1x128xi32, #tpu.memory_space<vmem>>
        %dma_start3A_509 = tpu.memref_squeeze %dma_start3A_508 : memref<1x1x1x128xi32, #tpu.memory_space<vmem>> -> memref<128xi32, #tpu.memory_space<vmem>>
        %dma_start3A_510 = arith.constant 0 : i32
        %dma_start3A_511 = arith.constant 0 : i32
        %dma_start3A_512 = tpu.memref_slice %arg2[%dma_start3A_510, %dma_start3A_511] : memref<1007616x32xf32, #tpu.memory_space<hbm>> -> memref<1007616x32xf32, #tpu.memory_space<hbm>>
        tpu.enqueue_indirect_dma source(%dma_start3A_512 : memref<1007616x32xf32, #tpu.memory_space<hbm>>) target(%dma_start3A_506 : memref<128x32xf32, #tpu.memory_space<vmem>>) offsets(%dma_start3A_509 : memref<128xi32, #tpu.memory_space<vmem>>) semaphore(%arg9 : memref<!tpu.dma_semaphore, #tpu.memory_space<semaphore_mem>>)
        %dma_start3A_513 = arith.constant 1 : i32
        %dma_start3A_514 = arith.constant 0 : i32
        %dma_start3A_515 = arith.constant 728 : i32
        %dma_start3A_516 = arith.constant 0 : i32
        %dma_start3A_517 = tpu.memref_slice %arg7[%dma_start3A_514, %dma_start3A_515, %dma_start3A_516] : memref<2x800x32xf32, #tpu.memory_space<vmem>> -> memref<1x72x32xf32, #tpu.memory_space<vmem>>
        %dma_start3A_518 = tpu.memref_squeeze %dma_start3A_517 : memref<1x72x32xf32, #tpu.memory_space<vmem>> -> memref<72x32xf32, #tpu.memory_space<vmem>>
        %dma_start3A_519 = arith.constant 0 : i32
        %dma_start3A_520 = tpu.memref_slice %arg6[%select_n3A_484, %dma_start3A_513, %select_n3A_500, %dma_start3A_519] : memref<16x2x8x128xi32, #tpu.memory_space<vmem>> -> memref<1x1x1x72xi32, #tpu.memory_space<vmem>>
        %dma_start3A_521 = tpu.memref_squeeze %dma_start3A_520 : memref<1x1x1x72xi32, #tpu.memory_space<vmem>> -> memref<72xi32, #tpu.memory_space<vmem>>
        %dma_start3A_522 = arith.constant 0 : i32
        %dma_start3A_523 = arith.constant 0 : i32
        %dma_start3A_524 = tpu.memref_slice %arg2[%dma_start3A_522, %dma_start3A_523] : memref<1007616x32xf32, #tpu.memory_space<hbm>> -> memref<1007616x32xf32, #tpu.memory_space<hbm>>
        tpu.enqueue_indirect_dma source(%dma_start3A_524 : memref<1007616x32xf32, #tpu.memory_space<hbm>>) target(%dma_start3A_518 : memref<72x32xf32, #tpu.memory_space<vmem>>) offsets(%dma_start3A_521 : memref<72xi32, #tpu.memory_space<vmem>>) semaphore(%arg9 : memref<!tpu.dma_semaphore, #tpu.memory_space<semaphore_mem>>)
      } else {
      }
      %dma_wait3A_215 = arith.constant 0 : i32
      %dma_wait3A_216 = arith.constant 1 : i32
      %dma_wait3A_217 = arith.constant 0 : i32
      %dma_wait3A_218 = arith.constant 0 : i32
      %dma_wait3A_219 = tpu.memref_slice %arg7[%dma_wait3A_216, %dma_wait3A_217, %dma_wait3A_218] : memref<2x800x32xf32, #tpu.memory_space<vmem>> -> memref<1x800x32xf32, #tpu.memory_space<vmem>>
      %dma_wait3A_220 = tpu.memref_squeeze %dma_wait3A_219 : memref<1x800x32xf32, #tpu.memory_space<vmem>> -> memref<800x32xf32, #tpu.memory_space<vmem>>
      %dma_wait3A_221 = arith.constant 0 : i32
      %dma_wait3A_222 = arith.constant 0 : i32
      %dma_wait3A_223 = tpu.memref_slice %arg5[%add3A, %dma_wait3A_215, %dma_wait3A_221, %dma_wait3A_222] : memref<32x32x800x32xf32, #tpu.memory_space<hbm>> -> memref<1x1x800x32xf32, #tpu.memory_space<hbm>>
      %dma_wait3A_224 = tpu.memref_squeeze %dma_wait3A_223 : memref<1x1x800x32xf32, #tpu.memory_space<hbm>> -> memref<800x32xf32, #tpu.memory_space<hbm>>
      %dma_wait3A_225 = arith.constant 0 : i32
      %dma_wait3A_226 = arith.constant 0 : i32
      %dma_wait3A_227 = tpu.memref_slice %arg7[%dma_wait3A_216, %dma_wait3A_225, %dma_wait3A_226] : memref<2x800x32xf32, #tpu.memory_space<vmem>> -> memref<1x800x32xf32, #tpu.memory_space<vmem>>
      %dma_wait3A_228 = tpu.memref_squeeze %dma_wait3A_227 : memref<1x800x32xf32, #tpu.memory_space<vmem>> -> memref<800x32xf32, #tpu.memory_space<vmem>>
      %dma_wait3A_229 = arith.constant 0 : i32
      %dma_wait3A_230 = arith.constant 0 : i32
      %dma_wait3A_231 = tpu.memref_slice %arg5[%add3A, %dma_wait3A_215, %dma_wait3A_229, %dma_wait3A_230] : memref<32x32x800x32xf32, #tpu.memory_space<hbm>> -> memref<1x1x800x32xf32, #tpu.memory_space<hbm>>
      %dma_wait3A_232 = tpu.memref_squeeze %dma_wait3A_231 : memref<1x1x800x32xf32, #tpu.memory_space<hbm>> -> memref<800x32xf32, #tpu.memory_space<hbm>>
      tpu.wait_dma2 semaphore(%arg10 : memref<!tpu.dma_semaphore, #tpu.memory_space<semaphore_mem>>) src(%dma_wait3A_232 : memref<800x32xf32, #tpu.memory_space<hbm>>) dst(%dma_wait3A_228 : memref<800x32xf32, #tpu.memory_space<vmem>>)
      %scan3A_233 = arith.constant 0 : i32
      %scan3A_234 = arith.constant 0 : i32
      %scan3A_235 = arith.constant 200 : i32
      %scan3A_236 = arith.addi %scan3A_234, %scan3A_235 : i32
      %scan3A_237 = arith.constant 1 : i32
      scf.for %scan3A_256 = %scan3A_234 to %scan3A_236 step %scan3A_237  : i32 {
        %get3A = arith.index_cast %scan3A_256 : i32 to index
        %get3A_257 = arith.constant 0 : index
        %get3A_258 = tpu.vector_load %arg8[%get3A, %get3A_257] {strides = array<i32>} : memref<200x32xf32, #tpu.memory_space<vmem>>, vector<1x16xf32>,
        %get3A_259 = vector.shape_cast %get3A_258 : vector<1x16xf32> to vector<16xf32>
        %get3A_260 = arith.index_cast %scan3A_256 : i32 to index
        %get3A_261 = arith.constant 16 : index
        %get3A_262 = tpu.vector_load %arg8[%get3A_260, %get3A_261] {strides = array<i32>} : memref<200x32xf32, #tpu.memory_space<vmem>>, vector<1x16xf32>,
        %get3A_263 = vector.shape_cast %get3A_262 : vector<1x16xf32> to vector<16xf32>
        %add3A_264 = arith.constant 0 : i32
        %add3A_265 = arith.addi %add3A_264, %scan3A_256 : i32
        %get3A_266 = arith.constant 1 : i32
        %get3A_267 = arith.index_cast %get3A_266 : i32 to index
        %get3A_268 = arith.index_cast %add3A_265 : i32 to index
        %get3A_269 = arith.constant 0 : index
        %get3A_270 = tpu.vector_load %arg7[%get3A_267, %get3A_268, %get3A_269] {strides = array<i32>} : memref<2x800x32xf32, #tpu.memory_space<vmem>>, vector<1x1x16xf32>,
        %get3A_271 = vector.shape_cast %get3A_270 : vector<1x1x16xf32> to vector<16xf32>
        %add3A_272 = arith.addf %get3A_271, %get3A_259 : vector<16xf32>
        %swap3A = arith.constant 1 : i32
        %swap3A_273 = arith.index_cast %swap3A : i32 to index
        %swap3A_274 = arith.index_cast %add3A_265 : i32 to index
        %swap3A_275 = arith.constant 0 : index
        %swap3A_276 = tpu.vector_load %arg7[%swap3A_273, %swap3A_274, %swap3A_275] {strides = array<i32>} : memref<2x800x32xf32, #tpu.memory_space<vmem>>, vector<1x1x16xf32>,
        %swap3A_277 = vector.shape_cast %swap3A_276 : vector<1x1x16xf32> to vector<16xf32>
        %swap3A_278 = vector.shape_cast %add3A_272 : vector<16xf32> to vector<1x1x16xf32>
        tpu.vector_store %arg7[%swap3A_273, %swap3A_274, %swap3A_275], %swap3A_278 {strides = array<i32>} : memref<2x800x32xf32, #tpu.memory_space<vmem>>, vector<1x1x16xf32>,
        %get3A_279 = arith.constant 1 : i32
        %get3A_280 = arith.index_cast %get3A_279 : i32 to index
        %get3A_281 = arith.index_cast %add3A_265 : i32 to index
        %get3A_282 = arith.constant 16 : index
        %get3A_283 = tpu.vector_load %arg7[%get3A_280, %get3A_281, %get3A_282] {strides = array<i32>} : memref<2x800x32xf32, #tpu.memory_space<vmem>>, vector<1x1x16xf32>,
        %get3A_284 = vector.shape_cast %get3A_283 : vector<1x1x16xf32> to vector<16xf32>
        %add3A_285 = arith.addf %get3A_284, %get3A_263 : vector<16xf32>
        %swap3A_286 = arith.constant 1 : i32
        %swap3A_287 = arith.index_cast %swap3A_286 : i32 to index
        %swap3A_288 = arith.index_cast %add3A_265 : i32 to index
        %swap3A_289 = arith.constant 16 : index
        %swap3A_290 = tpu.vector_load %arg7[%swap3A_287, %swap3A_288, %swap3A_289] {strides = array<i32>} : memref<2x800x32xf32, #tpu.memory_space<vmem>>, vector<1x1x16xf32>,
        %swap3A_291 = vector.shape_cast %swap3A_290 : vector<1x1x16xf32> to vector<16xf32>
        %swap3A_292 = vector.shape_cast %add3A_285 : vector<16xf32> to vector<1x1x16xf32>
        tpu.vector_store %arg7[%swap3A_287, %swap3A_288, %swap3A_289], %swap3A_292 {strides = array<i32>} : memref<2x800x32xf32, #tpu.memory_space<vmem>>, vector<1x1x16xf32>,
        %add3A_293 = arith.constant 200 : i32
        %add3A_294 = arith.addi %add3A_293, %scan3A_256 : i32
        %get3A_295 = arith.constant 1 : i32
        %get3A_296 = arith.index_cast %get3A_295 : i32 to index
        %get3A_297 = arith.index_cast %add3A_294 : i32 to index
        %get3A_298 = arith.constant 0 : index
        %get3A_299 = tpu.vector_load %arg7[%get3A_296, %get3A_297, %get3A_298] {strides = array<i32>} : memref<2x800x32xf32, #tpu.memory_space<vmem>>, vector<1x1x16xf32>,
        %get3A_300 = vector.shape_cast %get3A_299 : vector<1x1x16xf32> to vector<16xf32>
        %add3A_301 = arith.addf %get3A_300, %get3A_259 : vector<16xf32>
        %swap3A_302 = arith.constant 1 : i32
        %swap3A_303 = arith.index_cast %swap3A_302 : i32 to index
        %swap3A_304 = arith.index_cast %add3A_294 : i32 to index
        %swap3A_305 = arith.constant 0 : index
        %swap3A_306 = tpu.vector_load %arg7[%swap3A_303, %swap3A_304, %swap3A_305] {strides = array<i32>} : memref<2x800x32xf32, #tpu.memory_space<vmem>>, vector<1x1x16xf32>,
        %swap3A_307 = vector.shape_cast %swap3A_306 : vector<1x1x16xf32> to vector<16xf32>
        %swap3A_308 = vector.shape_cast %add3A_301 : vector<16xf32> to vector<1x1x16xf32>
        tpu.vector_store %arg7[%swap3A_303, %swap3A_304, %swap3A_305], %swap3A_308 {strides = array<i32>} : memref<2x800x32xf32, #tpu.memory_space<vmem>>, vector<1x1x16xf32>,
        %get3A_309 = arith.constant 1 : i32
        %get3A_310 = arith.index_cast %get3A_309 : i32 to index
        %get3A_311 = arith.index_cast %add3A_294 : i32 to index
        %get3A_312 = arith.constant 16 : index
        %get3A_313 = tpu.vector_load %arg7[%get3A_310, %get3A_311, %get3A_312] {strides = array<i32>} : memref<2x800x32xf32, #tpu.memory_space<vmem>>, vector<1x1x16xf32>,
        %get3A_314 = vector.shape_cast %get3A_313 : vector<1x1x16xf32> to vector<16xf32>
        %add3A_315 = arith.addf %get3A_314, %get3A_263 : vector<16xf32>
        %swap3A_316 = arith.constant 1 : i32
        %swap3A_317 = arith.index_cast %swap3A_316 : i32 to index
        %swap3A_318 = arith.index_cast %add3A_294 : i32 to index
        %swap3A_319 = arith.constant 16 : index
        %swap3A_320 = tpu.vector_load %arg7[%swap3A_317, %swap3A_318, %swap3A_319] {strides = array<i32>} : memref<2x800x32xf32, #tpu.memory_space<vmem>>, vector<1x1x16xf32>,
        %swap3A_321 = vector.shape_cast %swap3A_320 : vector<1x1x16xf32> to vector<16xf32>
        %swap3A_322 = vector.shape_cast %add3A_315 : vector<16xf32> to vector<1x1x16xf32>
        tpu.vector_store %arg7[%swap3A_317, %swap3A_318, %swap3A_319], %swap3A_322 {strides = array<i32>} : memref<2x800x32xf32, #tpu.memory_space<vmem>>, vector<1x1x16xf32>,
        %add3A_323 = arith.constant 400 : i32
        %add3A_324 = arith.addi %add3A_323, %scan3A_256 : i32
        %get3A_325 = arith.constant 1 : i32
        %get3A_326 = arith.index_cast %get3A_325 : i32 to index
        %get3A_327 = arith.index_cast %add3A_324 : i32 to index
        %get3A_328 = arith.constant 0 : index
        %get3A_329 = tpu.vector_load %arg7[%get3A_326, %get3A_327, %get3A_328] {strides = array<i32>} : memref<2x800x32xf32, #tpu.memory_space<vmem>>, vector<1x1x16xf32>,
        %get3A_330 = vector.shape_cast %get3A_329 : vector<1x1x16xf32> to vector<16xf32>
        %add3A_331 = arith.addf %get3A_330, %get3A_259 : vector<16xf32>
        %swap3A_332 = arith.constant 1 : i32
        %swap3A_333 = arith.index_cast %swap3A_332 : i32 to index
        %swap3A_334 = arith.index_cast %add3A_324 : i32 to index
        %swap3A_335 = arith.constant 0 : index
        %swap3A_336 = tpu.vector_load %arg7[%swap3A_333, %swap3A_334, %swap3A_335] {strides = array<i32>} : memref<2x800x32xf32, #tpu.memory_space<vmem>>, vector<1x1x16xf32>,
        %swap3A_337 = vector.shape_cast %swap3A_336 : vector<1x1x16xf32> to vector<16xf32>
        %swap3A_338 = vector.shape_cast %add3A_331 : vector<16xf32> to vector<1x1x16xf32>
        tpu.vector_store %arg7[%swap3A_333, %swap3A_334, %swap3A_335], %swap3A_338 {strides = array<i32>} : memref<2x800x32xf32, #tpu.memory_space<vmem>>, vector<1x1x16xf32>,
        %get3A_339 = arith.constant 1 : i32
        %get3A_340 = arith.index_cast %get3A_339 : i32 to index
        %get3A_341 = arith.index_cast %add3A_324 : i32 to index
        %get3A_342 = arith.constant 16 : index
        %get3A_343 = tpu.vector_load %arg7[%get3A_340, %get3A_341, %get3A_342] {strides = array<i32>} : memref<2x800x32xf32, #tpu.memory_space<vmem>>, vector<1x1x16xf32>,
        %get3A_344 = vector.shape_cast %get3A_343 : vector<1x1x16xf32> to vector<16xf32>
        %add3A_345 = arith.addf %get3A_344, %get3A_263 : vector<16xf32>
        %swap3A_346 = arith.constant 1 : i32
        %swap3A_347 = arith.index_cast %swap3A_346 : i32 to index
        %swap3A_348 = arith.index_cast %add3A_324 : i32 to index
        %swap3A_349 = arith.constant 16 : index
        %swap3A_350 = tpu.vector_load %arg7[%swap3A_347, %swap3A_348, %swap3A_349] {strides = array<i32>} : memref<2x800x32xf32, #tpu.memory_space<vmem>>, vector<1x1x16xf32>,
        %swap3A_351 = vector.shape_cast %swap3A_350 : vector<1x1x16xf32> to vector<16xf32>
        %swap3A_352 = vector.shape_cast %add3A_345 : vector<16xf32> to vector<1x1x16xf32>
        tpu.vector_store %arg7[%swap3A_347, %swap3A_348, %swap3A_349], %swap3A_352 {strides = array<i32>} : memref<2x800x32xf32, #tpu.memory_space<vmem>>, vector<1x1x16xf32>,
        %add3A_353 = arith.constant 600 : i32
        %add3A_354 = arith.addi %add3A_353, %scan3A_256 : i32
        %get3A_355 = arith.constant 1 : i32
        %get3A_356 = arith.index_cast %get3A_355 : i32 to index
        %get3A_357 = arith.index_cast %add3A_354 : i32 to index
        %get3A_358 = arith.constant 0 : index
        %get3A_359 = tpu.vector_load %arg7[%get3A_356, %get3A_357, %get3A_358] {strides = array<i32>} : memref<2x800x32xf32, #tpu.memory_space<vmem>>, vector<1x1x16xf32>,
        %get3A_360 = vector.shape_cast %get3A_359 : vector<1x1x16xf32> to vector<16xf32>
        %add3A_361 = arith.addf %get3A_360, %get3A_259 : vector<16xf32>
        %swap3A_362 = arith.constant 1 : i32
        %swap3A_363 = arith.index_cast %swap3A_362 : i32 to index
        %swap3A_364 = arith.index_cast %add3A_354 : i32 to index
        %swap3A_365 = arith.constant 0 : index
        %swap3A_366 = tpu.vector_load %arg7[%swap3A_363, %swap3A_364, %swap3A_365] {strides = array<i32>} : memref<2x800x32xf32, #tpu.memory_space<vmem>>, vector<1x1x16xf32>,
        %swap3A_367 = vector.shape_cast %swap3A_366 : vector<1x1x16xf32> to vector<16xf32>
        %swap3A_368 = vector.shape_cast %add3A_361 : vector<16xf32> to vector<1x1x16xf32>
        tpu.vector_store %arg7[%swap3A_363, %swap3A_364, %swap3A_365], %swap3A_368 {strides = array<i32>} : memref<2x800x32xf32, #tpu.memory_space<vmem>>, vector<1x1x16xf32>,
        %get3A_369 = arith.constant 1 : i32
        %get3A_370 = arith.index_cast %get3A_369 : i32 to index
        %get3A_371 = arith.index_cast %add3A_354 : i32 to index
        %get3A_372 = arith.constant 16 : index
        %get3A_373 = tpu.vector_load %arg7[%get3A_370, %get3A_371, %get3A_372] {strides = array<i32>} : memref<2x800x32xf32, #tpu.memory_space<vmem>>, vector<1x1x16xf32>,
        %get3A_374 = vector.shape_cast %get3A_373 : vector<1x1x16xf32> to vector<16xf32>
        %add3A_375 = arith.addf %get3A_374, %get3A_263 : vector<16xf32>
        %swap3A_376 = arith.constant 1 : i32
        %swap3A_377 = arith.index_cast %swap3A_376 : i32 to index
        %swap3A_378 = arith.index_cast %add3A_354 : i32 to index
        %swap3A_379 = arith.constant 16 : index
        %swap3A_380 = tpu.vector_load %arg7[%swap3A_377, %swap3A_378, %swap3A_379] {strides = array<i32>} : memref<2x800x32xf32, #tpu.memory_space<vmem>>, vector<1x1x16xf32>,
        %swap3A_381 = vector.shape_cast %swap3A_380 : vector<1x1x16xf32> to vector<16xf32>
        %swap3A_382 = vector.shape_cast %add3A_375 : vector<16xf32> to vector<1x1x16xf32>
        tpu.vector_store %arg7[%swap3A_377, %swap3A_378, %swap3A_379], %swap3A_382 {strides = array<i32>} : memref<2x800x32xf32, #tpu.memory_space<vmem>>, vector<1x1x16xf32>,
      }
      %scan3A_238 = arith.constant 200 : i32
      %dma_start3A_239 = arith.constant 1 : i32
      %dma_start3A_240 = arith.constant 0 : i32
      %dma_start3A_241 = arith.constant 0 : i32
      %dma_start3A_242 = tpu.memref_slice %arg7[%dma_start3A_239, %dma_start3A_240, %dma_start3A_241] : memref<2x800x32xf32, #tpu.memory_space<vmem>> -> memref<1x800x32xf32, #tpu.memory_space<vmem>>
      %dma_start3A_243 = tpu.memref_squeeze %dma_start3A_242 : memref<1x800x32xf32, #tpu.memory_space<vmem>> -> memref<800x32xf32, #tpu.memory_space<vmem>>
      %dma_start3A_244 = arith.constant 0 : i32
      %dma_start3A_245 = arith.constant 0 : i32
      %dma_start3A_246 = tpu.memref_slice %arg5[%add3A, %add3A_207, %dma_start3A_244, %dma_start3A_245] : memref<32x32x800x32xf32, #tpu.memory_space<hbm>> -> memref<1x1x800x32xf32, #tpu.memory_space<hbm>>
      %dma_start3A_247 = tpu.memref_squeeze %dma_start3A_246 : memref<1x1x800x32xf32, #tpu.memory_space<hbm>> -> memref<800x32xf32, #tpu.memory_space<hbm>>
      %dma_start3A_248 = arith.constant 0 : i32
      %dma_start3A_249 = arith.constant 0 : i32
      %dma_start3A_250 = tpu.memref_slice %arg5[%add3A, %add3A_207, %dma_start3A_248, %dma_start3A_249] : memref<32x32x800x32xf32, #tpu.memory_space<hbm>> -> memref<1x1x800x32xf32, #tpu.memory_space<hbm>>
      %dma_start3A_251 = tpu.memref_squeeze %dma_start3A_250 : memref<1x1x800x32xf32, #tpu.memory_space<hbm>> -> memref<800x32xf32, #tpu.memory_space<hbm>>
      %dma_start3A_252 = arith.constant 0 : i32
      %dma_start3A_253 = arith.constant 0 : i32
      %dma_start3A_254 = tpu.memref_slice %arg7[%dma_start3A_239, %dma_start3A_252, %dma_start3A_253] : memref<2x800x32xf32, #tpu.memory_space<vmem>> -> memref<1x800x32xf32, #tpu.memory_space<vmem>>
      %dma_start3A_255 = tpu.memref_squeeze %dma_start3A_254 : memref<1x800x32xf32, #tpu.memory_space<vmem>> -> memref<800x32xf32, #tpu.memory_space<vmem>>
      tpu.enqueue_dma source(%dma_start3A_255 : memref<800x32xf32, #tpu.memory_space<vmem>>) target(%dma_start3A_251 : memref<800x32xf32, #tpu.memory_space<hbm>>) target_semaphore(%arg12 : memref<!tpu.dma_semaphore, #tpu.memory_space<semaphore_mem>>)
    }
    %scan3A_118 = arith.constant 16 : i32
    %dma_wait3A = arith.constant 0 : i32
    %dma_wait3A_119 = arith.constant 0 : i32
    %dma_wait3A_120 = arith.constant 0 : i32
    %dma_wait3A_121 = arith.constant 0 : i32
    %dma_wait3A_122 = tpu.memref_slice %arg7[%dma_wait3A, %dma_wait3A_120, %dma_wait3A_121] : memref<2x800x32xf32, #tpu.memory_space<vmem>> -> memref<1x800x32xf32, #tpu.memory_space<vmem>>
    %dma_wait3A_123 = tpu.memref_squeeze %dma_wait3A_122 : memref<1x800x32xf32, #tpu.memory_space<vmem>> -> memref<800x32xf32, #tpu.memory_space<vmem>>
    %dma_wait3A_124 = arith.constant 0 : i32
    %dma_wait3A_125 = arith.constant 0 : i32
    %dma_wait3A_126 = tpu.memref_slice %arg5[%add3A, %dma_wait3A_119, %dma_wait3A_124, %dma_wait3A_125] : memref<32x32x800x32xf32, #tpu.memory_space<hbm>> -> memref<1x1x800x32xf32, #tpu.memory_space<hbm>>
    %dma_wait3A_127 = tpu.memref_squeeze %dma_wait3A_126 : memref<1x1x800x32xf32, #tpu.memory_space<hbm>> -> memref<800x32xf32, #tpu.memory_space<hbm>>
    %dma_wait3A_128 = arith.constant 0 : i32
    %dma_wait3A_129 = arith.constant 0 : i32
    %dma_wait3A_130 = tpu.memref_slice %arg5[%add3A, %dma_wait3A_119, %dma_wait3A_128, %dma_wait3A_129] : memref<32x32x800x32xf32, #tpu.memory_space<hbm>> -> memref<1x1x800x32xf32, #tpu.memory_space<hbm>>
    %dma_wait3A_131 = tpu.memref_squeeze %dma_wait3A_130 : memref<1x1x800x32xf32, #tpu.memory_space<hbm>> -> memref<800x32xf32, #tpu.memory_space<hbm>>
    %dma_wait3A_132 = arith.constant 0 : i32
    %dma_wait3A_133 = arith.constant 0 : i32
    %dma_wait3A_134 = tpu.memref_slice %arg7[%dma_wait3A, %dma_wait3A_132, %dma_wait3A_133] : memref<2x800x32xf32, #tpu.memory_space<vmem>> -> memref<1x800x32xf32, #tpu.memory_space<vmem>>
    %dma_wait3A_135 = tpu.memref_squeeze %dma_wait3A_134 : memref<1x800x32xf32, #tpu.memory_space<vmem>> -> memref<800x32xf32, #tpu.memory_space<vmem>>
    tpu.wait_dma2 semaphore(%arg11 : memref<!tpu.dma_semaphore, #tpu.memory_space<semaphore_mem>>) src(%dma_wait3A_135 : memref<800x32xf32, #tpu.memory_space<vmem>>) dst(%dma_wait3A_131 : memref<800x32xf32, #tpu.memory_space<hbm>>)
    %dma_wait3A_136 = arith.constant 1 : i32
    %dma_wait3A_137 = arith.constant 0 : i32
    %dma_wait3A_138 = arith.constant 0 : i32
    %dma_wait3A_139 = arith.constant 0 : i32
    %dma_wait3A_140 = tpu.memref_slice %arg7[%dma_wait3A_136, %dma_wait3A_138, %dma_wait3A_139] : memref<2x800x32xf32, #tpu.memory_space<vmem>> -> memref<1x800x32xf32, #tpu.memory_space<vmem>>
    %dma_wait3A_141 = tpu.memref_squeeze %dma_wait3A_140 : memref<1x800x32xf32, #tpu.memory_space<vmem>> -> memref<800x32xf32, #tpu.memory_space<vmem>>
    %dma_wait3A_142 = arith.constant 0 : i32
    %dma_wait3A_143 = arith.constant 0 : i32
    %dma_wait3A_144 = tpu.memref_slice %arg5[%add3A, %dma_wait3A_137, %dma_wait3A_142, %dma_wait3A_143] : memref<32x32x800x32xf32, #tpu.memory_space<hbm>> -> memref<1x1x800x32xf32, #tpu.memory_space<hbm>>
    %dma_wait3A_145 = tpu.memref_squeeze %dma_wait3A_144 : memref<1x1x800x32xf32, #tpu.memory_space<hbm>> -> memref<800x32xf32, #tpu.memory_space<hbm>>
    %dma_wait3A_146 = arith.constant 0 : i32
    %dma_wait3A_147 = arith.constant 0 : i32
    %dma_wait3A_148 = tpu.memref_slice %arg5[%add3A, %dma_wait3A_137, %dma_wait3A_146, %dma_wait3A_147] : memref<32x32x800x32xf32, #tpu.memory_space<hbm>> -> memref<1x1x800x32xf32, #tpu.memory_space<hbm>>
    %dma_wait3A_149 = tpu.memref_squeeze %dma_wait3A_148 : memref<1x1x800x32xf32, #tpu.memory_space<hbm>> -> memref<800x32xf32, #tpu.memory_space<hbm>>
    %dma_wait3A_150 = arith.constant 0 : i32
    %dma_wait3A_151 = arith.constant 0 : i32
    %dma_wait3A_152 = tpu.memref_slice %arg7[%dma_wait3A_136, %dma_wait3A_150, %dma_wait3A_151] : memref<2x800x32xf32, #tpu.memory_space<vmem>> -> memref<1x800x32xf32, #tpu.memory_space<vmem>>
    %dma_wait3A_153 = tpu.memref_squeeze %dma_wait3A_152 : memref<1x800x32xf32, #tpu.memory_space<vmem>> -> memref<800x32xf32, #tpu.memory_space<vmem>>
    tpu.wait_dma2 semaphore(%arg12 : memref<!tpu.dma_semaphore, #tpu.memory_space<semaphore_mem>>) src(%dma_wait3A_153 : memref<800x32xf32, #tpu.memory_space<vmem>>) dst(%dma_wait3A_149 : memref<800x32xf32, #tpu.memory_space<hbm>>)
    return
  }
}

module attributes {stable_mosaic.version = 14 : i64} {
  func.func @_repack_x_body(%arg0: memref<4096x200xi32, #tpu.memory_space<vmem>>, %arg1: memref<512x2x8x128xi32, #tpu.memory_space<vmem>>) attributes {dimension_semantics = [], scalar_prefetch = 0 : i64, scratch_operands = 0 : i64, tpu.core_type = #tpu.core_type<tc>} {
    %get3A = arith.constant 0 : index
    %get3A_0 = arith.constant 0 : index
    %get3A_1 = vector.load %arg0[%get3A, %get3A_0] : memref<4096x200xi32, #tpu.memory_space<vmem>>, vector<4096x200xi32>
    %shift_right_arithmetic3A = arith.constant 9 : i32
    %shift_right_arithmetic3A_2 = vector.broadcast %shift_right_arithmetic3A : i32 to vector<4096x200xi32>
    %shift_right_arithmetic3A_3 = arith.shrsi %get3A_1, %shift_right_arithmetic3A_2 : vector<4096x200xi32>
    %shift_left3A = arith.constant 9 : i32
    %shift_left3A_4 = vector.broadcast %shift_left3A : i32 to vector<4096x200xi32>
    %shift_left3A_5 = arith.shli %shift_right_arithmetic3A_3, %shift_left3A_4 : vector<4096x200xi32>
    %and3A = arith.constant 127 : i32
    %and3A_6 = vector.broadcast %and3A : i32 to vector<4096x200xi32>
    %and3A_7 = arith.andi %get3A_1, %and3A_6 : vector<4096x200xi32>
    %shift_left3A_8 = arith.constant 2 : i32
    %shift_left3A_9 = vector.broadcast %shift_left3A_8 : i32 to vector<4096x200xi32>
    %shift_left3A_10 = arith.shli %and3A_7, %shift_left3A_9 : vector<4096x200xi32>
    %or3A = arith.ori %shift_left3A_5, %shift_left3A_10 : vector<4096x200xi32>
    %shift_right_arithmetic3A_11 = arith.constant 7 : i32
    %shift_right_arithmetic3A_12 = vector.broadcast %shift_right_arithmetic3A_11 : i32 to vector<4096x200xi32>
    %shift_right_arithmetic3A_13 = arith.shrsi %get3A_1, %shift_right_arithmetic3A_12 : vector<4096x200xi32>
    %and3A_14 = arith.constant 3 : i32
    %and3A_15 = vector.broadcast %and3A_14 : i32 to vector<4096x200xi32>
    %and3A_16 = arith.andi %shift_right_arithmetic3A_13, %and3A_15 : vector<4096x200xi32>
    %or3A_17 = arith.ori %or3A, %and3A_16 : vector<4096x200xi32>
    %slice3A = vector.extract_strided_slice %or3A_17 {offsets = [0, 0], sizes = [4096, 128], strides = [1, 1]} : vector<4096x200xi32> to vector<4096x128xi32>
    %reshape3A = vector.shape_cast %slice3A : vector<4096x128xi32> to vector<512x8x128xi32>
    %slice3A_18 = vector.extract_strided_slice %or3A_17 {offsets = [0, 128], sizes = [4096, 72], strides = [1, 1]} : vector<4096x200xi32> to vector<4096x72xi32>
    %broadcast_in_dim3A = arith.constant 0 : i32
    %broadcast_in_dim3A_19 = vector.broadcast %broadcast_in_dim3A : i32 to vector<4096x56xi32>
    %concatenate3A = tpu.concatenate %slice3A_18, %broadcast_in_dim3A_19 in 1 : vector<4096x72xi32>, vector<4096x56xi32> -> vector<4096x128xi32>
    %swap3A = arith.constant 0 : index
    %swap3A_20 = arith.constant 0 : index
    %swap3A_21 = arith.constant 0 : index
    %swap3A_22 = arith.constant 0 : index
    %swap3A_23 = vector.load %arg1[%swap3A, %swap3A_20, %swap3A_21, %swap3A_22] : memref<512x2x8x128xi32, #tpu.memory_space<vmem>>, vector<512x1x8x128xi32>
    %swap3A_24 = vector.shape_cast %swap3A_23 : vector<512x1x8x128xi32> to vector<512x8x128xi32>
    %swap3A_25 = vector.shape_cast %reshape3A : vector<512x8x128xi32> to vector<512x1x8x128xi32>
    tpu.vector_store %arg1[%swap3A, %swap3A_20, %swap3A_21, %swap3A_22], %swap3A_25 {strides = array<i32>} : memref<512x2x8x128xi32, #tpu.memory_space<vmem>>, vector<512x1x8x128xi32>,
    %reshape3A_26 = vector.shape_cast %concatenate3A : vector<4096x128xi32> to vector<512x8x128xi32>
    %swap3A_27 = arith.constant 0 : index
    %swap3A_28 = arith.constant 1 : index
    %swap3A_29 = arith.constant 0 : index
    %swap3A_30 = arith.constant 0 : index
    %swap3A_31 = vector.load %arg1[%swap3A_27, %swap3A_28, %swap3A_29, %swap3A_30] : memref<512x2x8x128xi32, #tpu.memory_space<vmem>>, vector<512x1x8x128xi32>
    %swap3A_32 = vector.shape_cast %swap3A_31 : vector<512x1x8x128xi32> to vector<512x8x128xi32>
    %swap3A_33 = vector.shape_cast %reshape3A_26 : vector<512x8x128xi32> to vector<512x1x8x128xi32>
    tpu.vector_store %arg1[%swap3A_27, %swap3A_28, %swap3A_29, %swap3A_30], %swap3A_33 {strides = array<i32>} : memref<512x2x8x128xi32, #tpu.memory_space<vmem>>, vector<512x1x8x128xi32>,
    return
  }
}

module attributes {stable_mosaic.version = 14 : i64} {
  func.func @_detile_body(%arg0: i32, %arg1: memref<32x8192xf32, #tpu.memory_space<vmem>>, %arg2: memref<2048x128xf32, #tpu.memory_space<vmem>>) attributes {dimension_semantics = [#tpu.dimension_semantics<arbitrary>], iteration_bounds = array<i64: 123>, scalar_prefetch = 0 : i64, scratch_operands = 0 : i64, tpu.core_type = #tpu.core_type<tc>, window_params = [{transform_indices = @transform_0, window_bounds = array<i64: 32, 8192>}, {transform_indices = @transform_1, window_bounds = array<i64: 2048, 128>}]} {
    %get3A = arith.constant 0 : index
    %get3A_0 = arith.constant 0 : index
    %get3A_1 = vector.load %arg1[%get3A, %get3A_0] : memref<32x8192xf32, #tpu.memory_space<vmem>>, vector<32x128xf32>
    %get3A_2 = arith.constant 0 : index
    %get3A_3 = arith.constant 128 : index
    %get3A_4 = vector.load %arg1[%get3A_2, %get3A_3] : memref<32x8192xf32, #tpu.memory_space<vmem>>, vector<32x128xf32>
    %get3A_5 = arith.constant 0 : index
    %get3A_6 = arith.constant 256 : index
    %get3A_7 = vector.load %arg1[%get3A_5, %get3A_6] : memref<32x8192xf32, #tpu.memory_space<vmem>>, vector<32x128xf32>
    %get3A_8 = arith.constant 0 : index
    %get3A_9 = arith.constant 384 : index
    %get3A_10 = vector.load %arg1[%get3A_8, %get3A_9] : memref<32x8192xf32, #tpu.memory_space<vmem>>, vector<32x128xf32>
    %concatenate3A = tpu.concatenate %get3A_1, %get3A_4, %get3A_7, %get3A_10 in 0 : vector<32x128xf32>, vector<32x128xf32>, vector<32x128xf32>, vector<32x128xf32> -> vector<128x128xf32>
    %transpose3A = tpu.transpose %concatenate3A, [1, 0] : vector<128x128xf32> -> vector<128x128xf32>
    %swap3A = arith.constant 0 : index
    %swap3A_11 = arith.constant 0 : index
    %swap3A_12 = vector.load %arg2[%swap3A, %swap3A_11] : memref<2048x128xf32, #tpu.memory_space<vmem>>, vector<128x128xf32>
    tpu.vector_store %arg2[%swap3A, %swap3A_11], %transpose3A {strides = array<i32>} : memref<2048x128xf32, #tpu.memory_space<vmem>>, vector<128x128xf32>,
    %get3A_13 = arith.constant 0 : index
    %get3A_14 = arith.constant 512 : index
    %get3A_15 = vector.load %arg1[%get3A_13, %get3A_14] : memref<32x8192xf32, #tpu.memory_space<vmem>>, vector<32x128xf32>
    %get3A_16 = arith.constant 0 : index
    %get3A_17 = arith.constant 640 : index
    %get3A_18 = vector.load %arg1[%get3A_16, %get3A_17] : memref<32x8192xf32, #tpu.memory_space<vmem>>, vector<32x128xf32>
    %get3A_19 = arith.constant 0 : index
    %get3A_20 = arith.constant 768 : index
    %get3A_21 = vector.load %arg1[%get3A_19, %get3A_20] : memref<32x8192xf32, #tpu.memory_space<vmem>>, vector<32x128xf32>
    %get3A_22 = arith.constant 0 : index
    %get3A_23 = arith.constant 896 : index
    %get3A_24 = vector.load %arg1[%get3A_22, %get3A_23] : memref<32x8192xf32, #tpu.memory_space<vmem>>, vector<32x128xf32>
    %concatenate3A_25 = tpu.concatenate %get3A_15, %get3A_18, %get3A_21, %get3A_24 in 0 : vector<32x128xf32>, vector<32x128xf32>, vector<32x128xf32>, vector<32x128xf32> -> vector<128x128xf32>
    %transpose3A_26 = tpu.transpose %concatenate3A_25, [1, 0] : vector<128x128xf32> -> vector<128x128xf32>
    %swap3A_27 = arith.constant 128 : index
    %swap3A_28 = arith.constant 0 : index
    %swap3A_29 = vector.load %arg2[%swap3A_27, %swap3A_28] : memref<2048x128xf32, #tpu.memory_space<vmem>>, vector<128x128xf32>
    tpu.vector_store %arg2[%swap3A_27, %swap3A_28], %transpose3A_26 {strides = array<i32>} : memref<2048x128xf32, #tpu.memory_space<vmem>>, vector<128x128xf32>,
    %get3A_30 = arith.constant 0 : index
    %get3A_31 = arith.constant 1024 : index
    %get3A_32 = vector.load %arg1[%get3A_30, %get3A_31] : memref<32x8192xf32, #tpu.memory_space<vmem>>, vector<32x128xf32>
    %get3A_33 = arith.constant 0 : index
    %get3A_34 = arith.constant 1152 : index
    %get3A_35 = vector.load %arg1[%get3A_33, %get3A_34] : memref<32x8192xf32, #tpu.memory_space<vmem>>, vector<32x128xf32>
    %get3A_36 = arith.constant 0 : index
    %get3A_37 = arith.constant 1280 : index
    %get3A_38 = vector.load %arg1[%get3A_36, %get3A_37] : memref<32x8192xf32, #tpu.memory_space<vmem>>, vector<32x128xf32>
    %get3A_39 = arith.constant 0 : index
    %get3A_40 = arith.constant 1408 : index
    %get3A_41 = vector.load %arg1[%get3A_39, %get3A_40] : memref<32x8192xf32, #tpu.memory_space<vmem>>, vector<32x128xf32>
    %concatenate3A_42 = tpu.concatenate %get3A_32, %get3A_35, %get3A_38, %get3A_41 in 0 : vector<32x128xf32>, vector<32x128xf32>, vector<32x128xf32>, vector<32x128xf32> -> vector<128x128xf32>
    %transpose3A_43 = tpu.transpose %concatenate3A_42, [1, 0] : vector<128x128xf32> -> vector<128x128xf32>
    %swap3A_44 = arith.constant 256 : index
    %swap3A_45 = arith.constant 0 : index
    %swap3A_46 = vector.load %arg2[%swap3A_44, %swap3A_45] : memref<2048x128xf32, #tpu.memory_space<vmem>>, vector<128x128xf32>
    tpu.vector_store %arg2[%swap3A_44, %swap3A_45], %transpose3A_43 {strides = array<i32>} : memref<2048x128xf32, #tpu.memory_space<vmem>>, vector<128x128xf32>,
    %get3A_47 = arith.constant 0 : index
    %get3A_48 = arith.constant 1536 : index
    %get3A_49 = vector.load %arg1[%get3A_47, %get3A_48] : memref<32x8192xf32, #tpu.memory_space<vmem>>, vector<32x128xf32>
    %get3A_50 = arith.constant 0 : index
    %get3A_51 = arith.constant 1664 : index
    %get3A_52 = vector.load %arg1[%get3A_50, %get3A_51] : memref<32x8192xf32, #tpu.memory_space<vmem>>, vector<32x128xf32>
    %get3A_53 = arith.constant 0 : index
    %get3A_54 = arith.constant 1792 : index
    %get3A_55 = vector.load %arg1[%get3A_53, %get3A_54] : memref<32x8192xf32, #tpu.memory_space<vmem>>, vector<32x128xf32>
    %get3A_56 = arith.constant 0 : index
    %get3A_57 = arith.constant 1920 : index
    %get3A_58 = vector.load %arg1[%get3A_56, %get3A_57] : memref<32x8192xf32, #tpu.memory_space<vmem>>, vector<32x128xf32>
    %concatenate3A_59 = tpu.concatenate %get3A_49, %get3A_52, %get3A_55, %get3A_58 in 0 : vector<32x128xf32>, vector<32x128xf32>, vector<32x128xf32>, vector<32x128xf32> -> vector<128x128xf32>
    %transpose3A_60 = tpu.transpose %concatenate3A_59, [1, 0] : vector<128x128xf32> -> vector<128x128xf32>
    %swap3A_61 = arith.constant 384 : index
    %swap3A_62 = arith.constant 0 : index
    %swap3A_63 = vector.load %arg2[%swap3A_61, %swap3A_62] : memref<2048x128xf32, #tpu.memory_space<vmem>>, vector<128x128xf32>
    tpu.vector_store %arg2[%swap3A_61, %swap3A_62], %transpose3A_60 {strides = array<i32>} : memref<2048x128xf32, #tpu.memory_space<vmem>>, vector<128x128xf32>,
    %get3A_64 = arith.constant 0 : index
    %get3A_65 = arith.constant 2048 : index
    %get3A_66 = vector.load %arg1[%get3A_64, %get3A_65] : memref<32x8192xf32, #tpu.memory_space<vmem>>, vector<32x128xf32>
    %get3A_67 = arith.constant 0 : index
    %get3A_68 = arith.constant 2176 : index
    %get3A_69 = vector.load %arg1[%get3A_67, %get3A_68] : memref<32x8192xf32, #tpu.memory_space<vmem>>, vector<32x128xf32>
    %get3A_70 = arith.constant 0 : index
    %get3A_71 = arith.constant 2304 : index
    %get3A_72 = vector.load %arg1[%get3A_70, %get3A_71] : memref<32x8192xf32, #tpu.memory_space<vmem>>, vector<32x128xf32>
    %get3A_73 = arith.constant 0 : index
    %get3A_74 = arith.constant 2432 : index
    %get3A_75 = vector.load %arg1[%get3A_73, %get3A_74] : memref<32x8192xf32, #tpu.memory_space<vmem>>, vector<32x128xf32>
    %concatenate3A_76 = tpu.concatenate %get3A_66, %get3A_69, %get3A_72, %get3A_75 in 0 : vector<32x128xf32>, vector<32x128xf32>, vector<32x128xf32>, vector<32x128xf32> -> vector<128x128xf32>
    %transpose3A_77 = tpu.transpose %concatenate3A_76, [1, 0] : vector<128x128xf32> -> vector<128x128xf32>
    %swap3A_78 = arith.constant 512 : index
    %swap3A_79 = arith.constant 0 : index
    %swap3A_80 = vector.load %arg2[%swap3A_78, %swap3A_79] : memref<2048x128xf32, #tpu.memory_space<vmem>>, vector<128x128xf32>
    tpu.vector_store %arg2[%swap3A_78, %swap3A_79], %transpose3A_77 {strides = array<i32>} : memref<2048x128xf32, #tpu.memory_space<vmem>>, vector<128x128xf32>,
    %get3A_81 = arith.constant 0 : index
    %get3A_82 = arith.constant 2560 : index
    %get3A_83 = vector.load %arg1[%get3A_81, %get3A_82] : memref<32x8192xf32, #tpu.memory_space<vmem>>, vector<32x128xf32>
    %get3A_84 = arith.constant 0 : index
    %get3A_85 = arith.constant 2688 : index
    %get3A_86 = vector.load %arg1[%get3A_84, %get3A_85] : memref<32x8192xf32, #tpu.memory_space<vmem>>, vector<32x128xf32>
    %get3A_87 = arith.constant 0 : index
    %get3A_88 = arith.constant 2816 : index
    %get3A_89 = vector.load %arg1[%get3A_87, %get3A_88] : memref<32x8192xf32, #tpu.memory_space<vmem>>, vector<32x128xf32>
    %get3A_90 = arith.constant 0 : index
    %get3A_91 = arith.constant 2944 : index
    %get3A_92 = vector.load %arg1[%get3A_90, %get3A_91] : memref<32x8192xf32, #tpu.memory_space<vmem>>, vector<32x128xf32>
    %concatenate3A_93 = tpu.concatenate %get3A_83, %get3A_86, %get3A_89, %get3A_92 in 0 : vector<32x128xf32>, vector<32x128xf32>, vector<32x128xf32>, vector<32x128xf32> -> vector<128x128xf32>
    %transpose3A_94 = tpu.transpose %concatenate3A_93, [1, 0] : vector<128x128xf32> -> vector<128x128xf32>
    %swap3A_95 = arith.constant 640 : index
    %swap3A_96 = arith.constant 0 : index
    %swap3A_97 = vector.load %arg2[%swap3A_95, %swap3A_96] : memref<2048x128xf32, #tpu.memory_space<vmem>>, vector<128x128xf32>
    tpu.vector_store %arg2[%swap3A_95, %swap3A_96], %transpose3A_94 {strides = array<i32>} : memref<2048x128xf32, #tpu.memory_space<vmem>>, vector<128x128xf32>,
    %get3A_98 = arith.constant 0 : index
    %get3A_99 = arith.constant 3072 : index
    %get3A_100 = vector.load %arg1[%get3A_98, %get3A_99] : memref<32x8192xf32, #tpu.memory_space<vmem>>, vector<32x128xf32>
    %get3A_101 = arith.constant 0 : index
    %get3A_102 = arith.constant 3200 : index
    %get3A_103 = vector.load %arg1[%get3A_101, %get3A_102] : memref<32x8192xf32, #tpu.memory_space<vmem>>, vector<32x128xf32>
    %get3A_104 = arith.constant 0 : index
    %get3A_105 = arith.constant 3328 : index
    %get3A_106 = vector.load %arg1[%get3A_104, %get3A_105] : memref<32x8192xf32, #tpu.memory_space<vmem>>, vector<32x128xf32>
    %get3A_107 = arith.constant 0 : index
    %get3A_108 = arith.constant 3456 : index
    %get3A_109 = vector.load %arg1[%get3A_107, %get3A_108] : memref<32x8192xf32, #tpu.memory_space<vmem>>, vector<32x128xf32>
    %concatenate3A_110 = tpu.concatenate %get3A_100, %get3A_103, %get3A_106, %get3A_109 in 0 : vector<32x128xf32>, vector<32x128xf32>, vector<32x128xf32>, vector<32x128xf32> -> vector<128x128xf32>
    %transpose3A_111 = tpu.transpose %concatenate3A_110, [1, 0] : vector<128x128xf32> -> vector<128x128xf32>
    %swap3A_112 = arith.constant 768 : index
    %swap3A_113 = arith.constant 0 : index
    %swap3A_114 = vector.load %arg2[%swap3A_112, %swap3A_113] : memref<2048x128xf32, #tpu.memory_space<vmem>>, vector<128x128xf32>
    tpu.vector_store %arg2[%swap3A_112, %swap3A_113], %transpose3A_111 {strides = array<i32>} : memref<2048x128xf32, #tpu.memory_space<vmem>>, vector<128x128xf32>,
    %get3A_115 = arith.constant 0 : index
    %get3A_116 = arith.constant 3584 : index
    %get3A_117 = vector.load %arg1[%get3A_115, %get3A_116] : memref<32x8192xf32, #tpu.memory_space<vmem>>, vector<32x128xf32>
    %get3A_118 = arith.constant 0 : index
    %get3A_119 = arith.constant 3712 : index
    %get3A_120 = vector.load %arg1[%get3A_118, %get3A_119] : memref<32x8192xf32, #tpu.memory_space<vmem>>, vector<32x128xf32>
    %get3A_121 = arith.constant 0 : index
    %get3A_122 = arith.constant 3840 : index
    %get3A_123 = vector.load %arg1[%get3A_121, %get3A_122] : memref<32x8192xf32, #tpu.memory_space<vmem>>, vector<32x128xf32>
    %get3A_124 = arith.constant 0 : index
    %get3A_125 = arith.constant 3968 : index
    %get3A_126 = vector.load %arg1[%get3A_124, %get3A_125] : memref<32x8192xf32, #tpu.memory_space<vmem>>, vector<32x128xf32>
    %concatenate3A_127 = tpu.concatenate %get3A_117, %get3A_120, %get3A_123, %get3A_126 in 0 : vector<32x128xf32>, vector<32x128xf32>, vector<32x128xf32>, vector<32x128xf32> -> vector<128x128xf32>
    %transpose3A_128 = tpu.transpose %concatenate3A_127, [1, 0] : vector<128x128xf32> -> vector<128x128xf32>
    %swap3A_129 = arith.constant 896 : index
    %swap3A_130 = arith.constant 0 : index
    %swap3A_131 = vector.load %arg2[%swap3A_129, %swap3A_130] : memref<2048x128xf32, #tpu.memory_space<vmem>>, vector<128x128xf32>
    tpu.vector_store %arg2[%swap3A_129, %swap3A_130], %transpose3A_128 {strides = array<i32>} : memref<2048x128xf32, #tpu.memory_space<vmem>>, vector<128x128xf32>,
    %get3A_132 = arith.constant 0 : index
    %get3A_133 = arith.constant 4096 : index
    %get3A_134 = vector.load %arg1[%get3A_132, %get3A_133] : memref<32x8192xf32, #tpu.memory_space<vmem>>, vector<32x128xf32>
    %get3A_135 = arith.constant 0 : index
    %get3A_136 = arith.constant 4224 : index
    %get3A_137 = vector.load %arg1[%get3A_135, %get3A_136] : memref<32x8192xf32, #tpu.memory_space<vmem>>, vector<32x128xf32>
    %get3A_138 = arith.constant 0 : index
    %get3A_139 = arith.constant 4352 : index
    %get3A_140 = vector.load %arg1[%get3A_138, %get3A_139] : memref<32x8192xf32, #tpu.memory_space<vmem>>, vector<32x128xf32>
    %get3A_141 = arith.constant 0 : index
    %get3A_142 = arith.constant 4480 : index
    %get3A_143 = vector.load %arg1[%get3A_141, %get3A_142] : memref<32x8192xf32, #tpu.memory_space<vmem>>, vector<32x128xf32>
    %concatenate3A_144 = tpu.concatenate %get3A_134, %get3A_137, %get3A_140, %get3A_143 in 0 : vector<32x128xf32>, vector<32x128xf32>, vector<32x128xf32>, vector<32x128xf32> -> vector<128x128xf32>
    %transpose3A_145 = tpu.transpose %concatenate3A_144, [1, 0] : vector<128x128xf32> -> vector<128x128xf32>
    %swap3A_146 = arith.constant 1024 : index
    %swap3A_147 = arith.constant 0 : index
    %swap3A_148 = vector.load %arg2[%swap3A_146, %swap3A_147] : memref<2048x128xf32, #tpu.memory_space<vmem>>, vector<128x128xf32>
    tpu.vector_store %arg2[%swap3A_146, %swap3A_147], %transpose3A_145 {strides = array<i32>} : memref<2048x128xf32, #tpu.memory_space<vmem>>, vector<128x128xf32>,
    %get3A_149 = arith.constant 0 : index
    %get3A_150 = arith.constant 4608 : index
    %get3A_151 = vector.load %arg1[%get3A_149, %get3A_150] : memref<32x8192xf32, #tpu.memory_space<vmem>>, vector<32x128xf32>
    %get3A_152 = arith.constant 0 : index
    %get3A_153 = arith.constant 4736 : index
    %get3A_154 = vector.load %arg1[%get3A_152, %get3A_153] : memref<32x8192xf32, #tpu.memory_space<vmem>>, vector<32x128xf32>
    %get3A_155 = arith.constant 0 : index
    %get3A_156 = arith.constant 4864 : index
    %get3A_157 = vector.load %arg1[%get3A_155, %get3A_156] : memref<32x8192xf32, #tpu.memory_space<vmem>>, vector<32x128xf32>
    %get3A_158 = arith.constant 0 : index
    %get3A_159 = arith.constant 4992 : index
    %get3A_160 = vector.load %arg1[%get3A_158, %get3A_159] : memref<32x8192xf32, #tpu.memory_space<vmem>>, vector<32x128xf32>
    %concatenate3A_161 = tpu.concatenate %get3A_151, %get3A_154, %get3A_157, %get3A_160 in 0 : vector<32x128xf32>, vector<32x128xf32>, vector<32x128xf32>, vector<32x128xf32> -> vector<128x128xf32>
    %transpose3A_162 = tpu.transpose %concatenate3A_161, [1, 0] : vector<128x128xf32> -> vector<128x128xf32>
    %swap3A_163 = arith.constant 1152 : index
    %swap3A_164 = arith.constant 0 : index
    %swap3A_165 = vector.load %arg2[%swap3A_163, %swap3A_164] : memref<2048x128xf32, #tpu.memory_space<vmem>>, vector<128x128xf32>
    tpu.vector_store %arg2[%swap3A_163, %swap3A_164], %transpose3A_162 {strides = array<i32>} : memref<2048x128xf32, #tpu.memory_space<vmem>>, vector<128x128xf32>,
    %get3A_166 = arith.constant 0 : index
    %get3A_167 = arith.constant 5120 : index
    %get3A_168 = vector.load %arg1[%get3A_166, %get3A_167] : memref<32x8192xf32, #tpu.memory_space<vmem>>, vector<32x128xf32>
    %get3A_169 = arith.constant 0 : index
    %get3A_170 = arith.constant 5248 : index
    %get3A_171 = vector.load %arg1[%get3A_169, %get3A_170] : memref<32x8192xf32, #tpu.memory_space<vmem>>, vector<32x128xf32>
    %get3A_172 = arith.constant 0 : index
    %get3A_173 = arith.constant 5376 : index
    %get3A_174 = vector.load %arg1[%get3A_172, %get3A_173] : memref<32x8192xf32, #tpu.memory_space<vmem>>, vector<32x128xf32>
    %get3A_175 = arith.constant 0 : index
    %get3A_176 = arith.constant 5504 : index
    %get3A_177 = vector.load %arg1[%get3A_175, %get3A_176] : memref<32x8192xf32, #tpu.memory_space<vmem>>, vector<32x128xf32>
    %concatenate3A_178 = tpu.concatenate %get3A_168, %get3A_171, %get3A_174, %get3A_177 in 0 : vector<32x128xf32>, vector<32x128xf32>, vector<32x128xf32>, vector<32x128xf32> -> vector<128x128xf32>
    %transpose3A_179 = tpu.transpose %concatenate3A_178, [1, 0] : vector<128x128xf32> -> vector<128x128xf32>
    %swap3A_180 = arith.constant 1280 : index
    %swap3A_181 = arith.constant 0 : index
    %swap3A_182 = vector.load %arg2[%swap3A_180, %swap3A_181] : memref<2048x128xf32, #tpu.memory_space<vmem>>, vector<128x128xf32>
    tpu.vector_store %arg2[%swap3A_180, %swap3A_181], %transpose3A_179 {strides = array<i32>} : memref<2048x128xf32, #tpu.memory_space<vmem>>, vector<128x128xf32>,
    %get3A_183 = arith.constant 0 : index
    %get3A_184 = arith.constant 5632 : index
    %get3A_185 = vector.load %arg1[%get3A_183, %get3A_184] : memref<32x8192xf32, #tpu.memory_space<vmem>>, vector<32x128xf32>
    %get3A_186 = arith.constant 0 : index
    %get3A_187 = arith.constant 5760 : index
    %get3A_188 = vector.load %arg1[%get3A_186, %get3A_187] : memref<32x8192xf32, #tpu.memory_space<vmem>>, vector<32x128xf32>
    %get3A_189 = arith.constant 0 : index
    %get3A_190 = arith.constant 5888 : index
    %get3A_191 = vector.load %arg1[%get3A_189, %get3A_190] : memref<32x8192xf32, #tpu.memory_space<vmem>>, vector<32x128xf32>
    %get3A_192 = arith.constant 0 : index
    %get3A_193 = arith.constant 6016 : index
    %get3A_194 = vector.load %arg1[%get3A_192, %get3A_193] : memref<32x8192xf32, #tpu.memory_space<vmem>>, vector<32x128xf32>
    %concatenate3A_195 = tpu.concatenate %get3A_185, %get3A_188, %get3A_191, %get3A_194 in 0 : vector<32x128xf32>, vector<32x128xf32>, vector<32x128xf32>, vector<32x128xf32> -> vector<128x128xf32>
    %transpose3A_196 = tpu.transpose %concatenate3A_195, [1, 0] : vector<128x128xf32> -> vector<128x128xf32>
    %swap3A_197 = arith.constant 1408 : index
    %swap3A_198 = arith.constant 0 : index
    %swap3A_199 = vector.load %arg2[%swap3A_197, %swap3A_198] : memref<2048x128xf32, #tpu.memory_space<vmem>>, vector<128x128xf32>
    tpu.vector_store %arg2[%swap3A_197, %swap3A_198], %transpose3A_196 {strides = array<i32>} : memref<2048x128xf32, #tpu.memory_space<vmem>>, vector<128x128xf32>,
    %get3A_200 = arith.constant 0 : index
    %get3A_201 = arith.constant 6144 : index
    %get3A_202 = vector.load %arg1[%get3A_200, %get3A_201] : memref<32x8192xf32, #tpu.memory_space<vmem>>, vector<32x128xf32>
    %get3A_203 = arith.constant 0 : index
    %get3A_204 = arith.constant 6272 : index
    %get3A_205 = vector.load %arg1[%get3A_203, %get3A_204] : memref<32x8192xf32, #tpu.memory_space<vmem>>, vector<32x128xf32>
    %get3A_206 = arith.constant 0 : index
    %get3A_207 = arith.constant 6400 : index
    %get3A_208 = vector.load %arg1[%get3A_206, %get3A_207] : memref<32x8192xf32, #tpu.memory_space<vmem>>, vector<32x128xf32>
    %get3A_209 = arith.constant 0 : index
    %get3A_210 = arith.constant 6528 : index
    %get3A_211 = vector.load %arg1[%get3A_209, %get3A_210] : memref<32x8192xf32, #tpu.memory_space<vmem>>, vector<32x128xf32>
    %concatenate3A_212 = tpu.concatenate %get3A_202, %get3A_205, %get3A_208, %get3A_211 in 0 : vector<32x128xf32>, vector<32x128xf32>, vector<32x128xf32>, vector<32x128xf32> -> vector<128x128xf32>
    %transpose3A_213 = tpu.transpose %concatenate3A_212, [1, 0] : vector<128x128xf32> -> vector<128x128xf32>
    %swap3A_214 = arith.constant 1536 : index
    %swap3A_215 = arith.constant 0 : index
    %swap3A_216 = vector.load %arg2[%swap3A_214, %swap3A_215] : memref<2048x128xf32, #tpu.memory_space<vmem>>, vector<128x128xf32>
    tpu.vector_store %arg2[%swap3A_214, %swap3A_215], %transpose3A_213 {strides = array<i32>} : memref<2048x128xf32, #tpu.memory_space<vmem>>, vector<128x128xf32>,
    %get3A_217 = arith.constant 0 : index
    %get3A_218 = arith.constant 6656 : index
    %get3A_219 = vector.load %arg1[%get3A_217, %get3A_218] : memref<32x8192xf32, #tpu.memory_space<vmem>>, vector<32x128xf32>
    %get3A_220 = arith.constant 0 : index
    %get3A_221 = arith.constant 6784 : index
    %get3A_222 = vector.load %arg1[%get3A_220, %get3A_221] : memref<32x8192xf32, #tpu.memory_space<vmem>>, vector<32x128xf32>
    %get3A_223 = arith.constant 0 : index
    %get3A_224 = arith.constant 6912 : index
    %get3A_225 = vector.load %arg1[%get3A_223, %get3A_224] : memref<32x8192xf32, #tpu.memory_space<vmem>>, vector<32x128xf32>
    %get3A_226 = arith.constant 0 : index
    %get3A_227 = arith.constant 7040 : index
    %get3A_228 = vector.load %arg1[%get3A_226, %get3A_227] : memref<32x8192xf32, #tpu.memory_space<vmem>>, vector<32x128xf32>
    %concatenate3A_229 = tpu.concatenate %get3A_219, %get3A_222, %get3A_225, %get3A_228 in 0 : vector<32x128xf32>, vector<32x128xf32>, vector<32x128xf32>, vector<32x128xf32> -> vector<128x128xf32>
    %transpose3A_230 = tpu.transpose %concatenate3A_229, [1, 0] : vector<128x128xf32> -> vector<128x128xf32>
    %swap3A_231 = arith.constant 1664 : index
    %swap3A_232 = arith.constant 0 : index
    %swap3A_233 = vector.load %arg2[%swap3A_231, %swap3A_232] : memref<2048x128xf32, #tpu.memory_space<vmem>>, vector<128x128xf32>
    tpu.vector_store %arg2[%swap3A_231, %swap3A_232], %transpose3A_230 {strides = array<i32>} : memref<2048x128xf32, #tpu.memory_space<vmem>>, vector<128x128xf32>,
    %get3A_234 = arith.constant 0 : index
    %get3A_235 = arith.constant 7168 : index
    %get3A_236 = vector.load %arg1[%get3A_234, %get3A_235] : memref<32x8192xf32, #tpu.memory_space<vmem>>, vector<32x128xf32>
    %get3A_237 = arith.constant 0 : index
    %get3A_238 = arith.constant 7296 : index
    %get3A_239 = vector.load %arg1[%get3A_237, %get3A_238] : memref<32x8192xf32, #tpu.memory_space<vmem>>, vector<32x128xf32>
    %get3A_240 = arith.constant 0 : index
    %get3A_241 = arith.constant 7424 : index
    %get3A_242 = vector.load %arg1[%get3A_240, %get3A_241] : memref<32x8192xf32, #tpu.memory_space<vmem>>, vector<32x128xf32>
    %get3A_243 = arith.constant 0 : index
    %get3A_244 = arith.constant 7552 : index
    %get3A_245 = vector.load %arg1[%get3A_243, %get3A_244] : memref<32x8192xf32, #tpu.memory_space<vmem>>, vector<32x128xf32>
    %concatenate3A_246 = tpu.concatenate %get3A_236, %get3A_239, %get3A_242, %get3A_245 in 0 : vector<32x128xf32>, vector<32x128xf32>, vector<32x128xf32>, vector<32x128xf32> -> vector<128x128xf32>
    %transpose3A_247 = tpu.transpose %concatenate3A_246, [1, 0] : vector<128x128xf32> -> vector<128x128xf32>
    %swap3A_248 = arith.constant 1792 : index
    %swap3A_249 = arith.constant 0 : index
    %swap3A_250 = vector.load %arg2[%swap3A_248, %swap3A_249] : memref<2048x128xf32, #tpu.memory_space<vmem>>, vector<128x128xf32>
    tpu.vector_store %arg2[%swap3A_248, %swap3A_249], %transpose3A_247 {strides = array<i32>} : memref<2048x128xf32, #tpu.memory_space<vmem>>, vector<128x128xf32>,
    %get3A_251 = arith.constant 0 : index
    %get3A_252 = arith.constant 7680 : index
    %get3A_253 = vector.load %arg1[%get3A_251, %get3A_252] : memref<32x8192xf32, #tpu.memory_space<vmem>>, vector<32x128xf32>
    %get3A_254 = arith.constant 0 : index
    %get3A_255 = arith.constant 7808 : index
    %get3A_256 = vector.load %arg1[%get3A_254, %get3A_255] : memref<32x8192xf32, #tpu.memory_space<vmem>>, vector<32x128xf32>
    %get3A_257 = arith.constant 0 : index
    %get3A_258 = arith.constant 7936 : index
    %get3A_259 = vector.load %arg1[%get3A_257, %get3A_258] : memref<32x8192xf32, #tpu.memory_space<vmem>>, vector<32x128xf32>
    %get3A_260 = arith.constant 0 : index
    %get3A_261 = arith.constant 8064 : index
    %get3A_262 = vector.load %arg1[%get3A_260, %get3A_261] : memref<32x8192xf32, #tpu.memory_space<vmem>>, vector<32x128xf32>
    %concatenate3A_263 = tpu.concatenate %get3A_253, %get3A_256, %get3A_259, %get3A_262 in 0 : vector<32x128xf32>, vector<32x128xf32>, vector<32x128xf32>, vector<32x128xf32> -> vector<128x128xf32>
    %transpose3A_264 = tpu.transpose %concatenate3A_263, [1, 0] : vector<128x128xf32> -> vector<128x128xf32>
    %swap3A_265 = arith.constant 1920 : index
    %swap3A_266 = arith.constant 0 : index
    %swap3A_267 = vector.load %arg2[%swap3A_265, %swap3A_266] : memref<2048x128xf32, #tpu.memory_space<vmem>>, vector<128x128xf32>
    tpu.vector_store %arg2[%swap3A_265, %swap3A_266], %transpose3A_264 {strides = array<i32>} : memref<2048x128xf32, #tpu.memory_space<vmem>>, vector<128x128xf32>,
    return
  }
  func.func @transform_0(%arg0: i32) -> (i32, i32) {
    %c0_i32 = arith.constant 0 : i32
    %c0_i32_0 = arith.constant 0 : i32
    return %c0_i32, %arg0 : i32, i32
  }
  func.func @transform_1(%arg0: i32) -> (i32, i32) {
    %c0_i32 = arith.constant 0 : i32
    %c0_i32_0 = arith.constant 0 : i32
    return %arg0, %c0_i32 : i32, i32
  }
}

</mosaic_0001>

<sc_bundles>
// kernel: kernel.5.cloned.1.call-start
scs
__scs_entry_jumppad:
0x0: {  	(pc) =	sbr.rel $0x88, $3  }
0x1: {  	(tag) =	ssettag $0x0;
	lr =	simm.s32 $0x1  }
0x2: {  	[smem:$0x3F9E] =	sst lr;
	_ =	strace $0xD0000000  }
0x3: {  	_ = 	snop  }
0x4: {  	_ = 	snop  }
0x5: {  	_ = 	snop  }
0x6: {  	_ = 	snop  }
0x7: {  	_ = 	snop  }
__scs_overlays_trampoline_lowered:
0x8: {  	[smem:$0x3FAD] =	sst s0  }
0x9: {  	[smem:$0x3FAE] =	sst s1  }
0xa: {  	[smem:$0x3FAF] =	sst s2  }
0xb: {  	[smem:$0x3FB0] =	sst s3  }
0xc: {  	[smem:$0x3FB1] =	sst s4  }
0xd: {  	[smem:$0x3FB2] =	sst s5  }
0xe: {  	[smem:$0x3FB3] =	sst s6  }
0xf: {  	[smem:$0x3FB4] =	sst s7  }
0x10: {  	[smem:$0x3FB5] =	sst s8  }
0x11: {  	[smem:$0x3FB6] =	sst s9;
	s0 =	simm.s32 @!p0 $0x0  }
0x12: {  	s1 =	sld [smem:$0x3F9C];
	s0 =	simm.s32 @p0 $0x1  }
0x13: {  	[smem:$0x3FB7] =	sst s0;
	s0 =	simm.s32 @!p1 $0x0  }
0x14: {  	s2 =	sld [smem:$0x3F9B];
	s0 =	simm.s32 @p1 $0x1  }
0x15: {  	[smem:$0x3FB8] =	sst s0;
	s0 =	simm.s32 @!p2 $0x0  }
0x16: {  	s3 =	sld [smem:$0x3FDB];
	s0 =	simm.s32 @p2 $0x1  }
0x17: {  	s4 =	simm.s32 $0x1BF5;
	[smem:$0x3FBA] =	sst s0  }
0x18: {  	s0 =	sld [smem:$0x3F9D];
	_ =	swait.ge [sflag:s4], $0x0  }
0x19: {  	s7 =	sld [smem:$0x3F9E]  }
0x1a: {  	s8 =	sadd.s32 $0xFFFFE003, lr  }
0x1b: {  	s9 =	sadd.s32 $0xFFFFFEF7, lr;
	s5 =	simm.s32 $0xFFFFFFFF;
	p2 =	slt.u32 s8, $0xFFFFF086  }
0x1c: {  	p1 =	slt.u32 s9, $0xF7A;
	s5 =	simm.s32 @!p2 $0x0  }
0x1d: {  	s5 =	simm.s32 @p1 $0x1;
	p0 =	seq.s32 s7, s2  }
0x1e: {  	s7 =	smul.u32 @!p0 $0xF7A, s2;
	p2 =	seq.s32 @!p0 s5, $0x0  }
0x1f: {  	s9 =	smul.u32 $0xF7A, s1;
	s8 =	simm.s32 @!p0 $0x1BF5;
	p2 =	por !p2, p0  }
0x20: {  	[sflag:s8] =	ssyncset.s32 @!p0 $0xFFFFF086;
	s6 =	sadd.s32 @!p0 s3, s7;
	s7 =	simm.s32 @!p0 $0x108  }
0x21: {  	s3 =	sadd.s32 s3, s9;
	s6 =	sadd.s32 @!p0 $0x88, s6;
	s7 =	simm.s32 @p2 $0x1082  }
0x22: {  	[simem:s7], [sflag:s8] =	dma.local @!p0 [hbm:s6], $0xF7A  }
0x23: {  	s9 =	sor.u32 $0xD0000000, s2;
	s6 =	simm.s32 $0x108;
	_ =	swait.ge @!p0 [sflag:s8], $0x0  }
0x24: {  	s3 =	sadd.s32 $0x88, s3;
	s6 =	simm.s32 @!p1 $0x1082;
	[sflag:s4] =	ssyncset.s32 $0xFFFFF086  }
0x25: {  	[simem:s6], [sflag:s4] =	dma.local [hbm:s3], $0xF7A  }
0x26: {  	[smem:$0x3F9E] =	sst s1;
	(tag) =	ssettag s2;
	_ =	strace s9  }
0x27: {  	s1 =	sld [smem:$0x3FAE]  }
0x28: {  	s2 =	sld [smem:$0x3FAF]  }
0x29: {  	s4 =	sld [smem:$0x3FB1]  }
0x2a: {  	p0 =	seq.s32 s5, $0x0;
	s5 =	sld [smem:$0x3FB2]  }
0x2b: {  	s6 =	sld [smem:$0x3FB3]  }
0x2c: {  	s7 =	sld [smem:$0x3FB4]  }
0x2d: {  	s3 =	simm.s32 $0x108;
	s8 =	sld [smem:$0x3FB5]  }
0x2e: {  	s3 =	simm.s32 @!p0 $0x1082;
	s9 =	sld [smem:$0x3FB6]  }
0x2f: {  	lr =	sadd.s32 s0, s3;
	s0 =	sld [smem:$0x3FAD]  }
0x30: {  	s3 =	sld [smem:$0x3FB0]  }
0x31: {  	[smem:$0x3FB9] =	sst s10  }
0x32: {  	s10 =	sld [smem:$0x3FB7];
	_ =	sdelay $0x3  }
0x33: {  	p0 =	seq.s32 s10, $0x1;
	s10 =	sld [smem:$0x3FB9];
	_ =	sdelay $0x3  }
0x34: {  	[smem:$0x3FB9] =	sst s10  }
0x35: {  	s10 =	sld [smem:$0x3FB8];
	_ =	sdelay $0x3  }
0x36: {  	p1 =	seq.s32 s10, $0x1;
	s10 =	sld [smem:$0x3FB9];
	_ =	sdelay $0x3  }
0x37: {  	[smem:$0x3FB9] =	sst s10  }
0x38: {  	s10 =	sld [smem:$0x3FBA]  }
0x39: {  	_ = 	snop;
	(pc) =	sbr.ind lr, $3  }
0x3a: {  	_ = 	snop  }
0x3b: {  	_ = 	snop  }
0x3c: {  	p2 =	seq.s32 s10, $0x1;
	s10 =	sld [smem:$0x3FB9]  }
0x3d: {  	_ =	shalt  }
0x3e: {  	_ =	shalt  }
0x3f: {  	_ =	shalt  }
0x40: {  	_ =	shalt  }
0x41: {  	_ =	shalt  }
0x42: {  	_ =	shalt  }
0x43: {  	_ =	shalt  }
0x44: {  	_ =	shalt  }
0x45: {  	_ =	shalt  }
0x46: {  	_ =	shalt  }
0x47: {  	_ =	shalt  }
0x48: {  	_ =	shalt  }
0x49: {  	_ =	shalt  }
0x4a: {  	_ =	shalt  }
0x4b: {  	_ =	shalt  }
0x4c: {  	_ =	shalt  }
0x4d: {  	_ =	shalt  }
0x4e: {  	_ =	shalt  }
0x4f: {  	_ =	shalt  }
0x50: {  	_ =	shalt  }
0x51: {  	_ =	shalt  }
0x52: {  	_ =	shalt  }
0x53: {  	_ =	shalt  }
0x54: {  	_ =	shalt  }
0x55: {  	_ =	shalt  }
0x56: {  	_ =	shalt  }
0x57: {  	_ =	shalt  }
0x58: {  	_ =	shalt  }
0x59: {  	_ =	shalt  }
0x5a: {  	_ =	shalt  }
0x5b: {  	_ =	shalt  }
0x5c: {  	_ =	shalt  }
0x5d: {  	_ =	shalt  }
0x5e: {  	_ =	shalt  }
0x5f: {  	_ =	shalt  }
0x60: {  	_ =	shalt  }
0x61: {  	_ =	shalt  }
0x62: {  	_ =	shalt  }
0x63: {  	_ =	shalt  }
0x64: {  	_ =	shalt  }
0x65: {  	_ =	shalt  }
0x66: {  	_ =	shalt  }
0x67: {  	_ =	shalt  }
0x68: {  	_ =	shalt  }
0x69: {  	_ =	shalt  }
0x6a: {  	_ =	shalt  }
0x6b: {  	_ =	shalt  }
0x6c: {  	_ =	shalt  }
0x6d: {  	_ =	shalt  }
0x6e: {  	_ =	shalt  }
0x6f: {  	_ =	shalt  }
0x70: {  	_ =	shalt  }
0x71: {  	_ =	shalt  }
0x72: {  	_ =	shalt  }
0x73: {  	_ =	shalt  }
0x74: {  	_ =	shalt  }
0x75: {  	_ =	shalt  }
0x76: {  	_ =	shalt  }
0x77: {  	_ =	shalt  }
0x78: {  	_ =	shalt  }
0x79: {  	_ =	shalt  }
0x7a: {  	_ =	shalt  }
0x7b: {  	_ =	shalt  }
0x7c: {  	_ =	shalt  }
0x7d: {  	_ =	shalt  }
0x7e: {  	_ =	shalt  }
0x7f: {  	_ =	shalt  }
0x80: {  	_ =	shalt  }
0x81: {  	_ =	shalt  }
0x82: {  	_ =	shalt  }
0x83: {  	_ =	shalt  }
0x84: {  	_ =	shalt  }
0x85: {  	_ =	shalt  }
0x86: {  	_ =	shalt  }
0x87: {  	_ =	shalt  }
.Lfunc_end0:
.L_simem_size_0:
called_computation.1_lowered:
.L_overlay_start_0:
0x88: {  	s2 =	sld [smem:$0x3FD9]  }
0x89: {  	s3 =	sld [smem:$0x3FFE];
	_ =	sdelay $0x1  }
0x8a: {  	s1 =	srdreg.scid  }
0x8b: {  	s0 =	sand.u32 $0x1, s1  }
0x8c: {  	s17 =	sshll.u32 s0, $0xA;
	s2 =	sadd.s32 s3, s2  }
0x8d: {  	s2 =	sadd.s32 s2, s17  }
0x8e: {  	[smem:$0x3FC5] =	sst s2  }
0x8f: {  	_ = 	snop  }
0x90: {  	s2 =	sld [smem:$0x3FD0];
	(tm) =	ssettm $0x1  }
0x91: {  	s18 =	sld [smem:$0x3FFB];
	_ =	sdelay $0x3  }
0x92: {  	_ =	strace s18  }
0x93: {  	s3 =	sld [smem:$0x3FFC];
	_ =	sdelay $0x3  }
0x94: {  	_ =	strace s3  }
0x95: {  	s3 =	sld [smem:$0x3FFD];
	_ =	sdelay $0x3  }
0x96: {  	_ =	strace s3  }
0x97: {  	_ =	strace $0x8FFFFFFF  }
0x98: {  	s19 =	sld [smem:$0x3FDB];
	_ =	sdelay $0x1  }
0x99: {  	s4 =	simm.s32 $_scs_section_size  }
0x9a: {  	s5 =	simm.s32 $_size__tile_overlayer_lowered;
	s6 =	simm.s32 $_tile_overlayer_lowered  }
0x9b: {  	s22 =	simm.s32 $0x1BFF;
	s21 =	sshll.u32 s6, $0x1;
	s3 =	sadd.s32 s4, s19  }
0x9c: {  	s7 =	simm.s32 $0x0;
	s20 =	sshll.u32 s5, $0x1;
	s5 =	sadd.s32 s21, s3  }
0x9d: {  	[timem:s7], [sflag:s22] =	dma.local [hbm:s5], s20  }
0x9e: {  	_ =	swait.ge [sflag:s22], s20  }
0x9f: {  	s4 =	ssub.s32 $0x0, s20;
	[sflag:s22] =	ssyncset.done $0x0  }
0xa0: {  	[sflag:s22] =	ssyncadd.s32 s4;
	_ =	sdelay $0x1  }
0xa1: {  	s23 =	simm.s32 $0x1B8B  }
0xa2: {  	_ =	swait.ge [sflag:s23], $0x1  }
0xa3: {  	[sflag:s23] =	ssyncset.done $0x0  }
0xa4: {  	s25 =	simm.s32 $0x1B8E;
	s24 =	sld [smem:$0x3FFE];
	[sflag:s23] =	ssyncadd.s32 $0xFFFFFFFF  }
0xa5: {  	s26 =	simm.s32 $execute0_lowered;
	[smem:$0x3FD2] =	sst s25  }
0xa6: {  	s5 =	sshll.u32 s26, $0x1;
	_ =	strace $0x80000046;
	[dreg:$0x1] =	wrdreg $0xFFFFFFFF  }
0xa7: {  	s28 =	simm.s32 $_size_execute0_lowered;
	s3 =	sadd.s32 s3, s5;
	[dreg:$0x0] =	wrdreg $0x0  }
0xa8: {  	s5 =	sshll.u32 s28, $0x1;
	[dreg:$0x2] =	wrdreg s3  }
0xa9: {  	[dreg:$0x3] =	wrdreg s5  }
0xaa: {  	[dreg:$0x4] =	wrdreg $0xC0  }
0xab: {  	_ =	task [dreg:s7], $0x5FFFF  }
0xac: {  	[dreg:$0x1] =	wrdreg $0xFFFFFFFF  }
0xad: {  	[dreg:$0x0] =	wrdreg $0x60  }
0xae: {  	[dreg:$0x2] =	wrdreg s24  }
0xaf: {  	[dreg:$0x3] =	wrdreg s2  }
0xb0: {  	[dreg:$0x4] =	wrdreg $0x9  }
0xb1: {  	_ =	task.clear_ibuf [dreg:s7], $0x5FFFF;
	_ =	strace $0x90000046  }
0xb2: {  	s29 =	simm.s32 $0x9;
	_ =	strace $0x80000048  }
0xb3: {  	_ =	swait.ge [sflag:s29], $0x1  }
0xb4: {  	[sflag:s29] =	ssyncadd.s32 $0xFFFFFFFF  }
0xb5: {  	_ =	strace $0x90000048  }
0xb6: {  	_ =	sfence  }
0xb7: {  	s30 =	sld [smem:$0x0];
	_ =	sdelay $0x2  }
0xb8: {  	s31 =	sshll.u32 s1, $0xD;
	s1 =	sshrl.u32 s1, $0x2  }
0xb9: {  	s3 =	sand.u32 $0x4000, s31;
	s1 =	sadd.s32 s1, s30  }
0xba: {  	s0 =	sor.u32 s3, s0;
	s1 =	sshll.u32 s1, $0x11  }
0xbb: {  	s0 =	sor.u32 s1, s0  }
0xbc: {  	s0 =	sadd.s32 $0x8F2B, s0  }
0xbd: {  	[sflag:s0] =	ssyncadd.remote.s32 $0x1  }
0xbe: {  	_ =	sfence.sel $0xFFFF  }
0xbf: {  	[dreg:$0x0] =	wrdreg $0xFFFFFFFF;
	(pc) =	sbr.abs _section_cstart, $3  }
0xc0: {  	[dreg:$0x1] =	wrdreg $0xFFFFFFFF  }
0xc1: {  	_ =	task.clear_ibuf [dreg:s7], $0x2FFFF;
	_ =	strace $0x9FFFFFFF  }
0xc2: {  	(tm) =	ssettm $0x7FFFFFFF  }
0xc3: {  	_ =	shalt  }
tec
execute0_lowered:
.L_overlay_start_1:
0x0: {  	(tag) =	ssettag $0x1  }
0x1: {  	s0 =	rddreg [dreg:$0x0]  }
0x2: {  	s2 =	rddreg [dreg:$0x1];
	s3 =	simm.s32 $0x0  }
0x3: {  	s1 =	srdreg.scid;
	s4 =	stileid.u32;
	s11 =	simm.s32 $0x5  }
0x4: {  	s12 =	simm.s32 $0x80;
	s13 =	simm.s32 $0x8000;
	s14 =	simm.s32 $0x48  }
0x5: {  	s29 =	simm.s32 $0xE400;
	s30 =	simm.s32 $0xF400;
	s31 =	simm.s32 $0xFD00  }
0x6: {  	s10 =	simm.s32 $0x12600;
	s15 =	simm.s32 $0x12F00;
	s16 =	simm.s32 $0x13F00  }
0x7: {  	s17 =	simm.s32 $0x1;
	s18 =	simm.s32 $0x2;
	s19 =	simm.s32 $0x3  }
0x8: {  	s20 =	simm.s32 $0x4;
	s21 =	simm.s32 $0x0;
	[smem:$0x7FF] =	sst s3  }
0x9: {  	s1 =	sand.u32 $0x1, s1;
	s4 =	sshll.u32 s4, $0x1;
	_ =	strace $0x80000047  }
0xa: {  	s5 =	sor.u32 s1, s4;
	s4 =	sadd.s32 $0x20E00, s0;
	s1 =	ssub.s32 $0x2, s1  }
0xb: {  	s6 =	sshll.u32 s5, $0xC;
	s8 =	sshrl.u32 s1, $0x1;
	s5 =	smul.u32 $0xC8000, s5  }
0xc: {  	s7 =	sadd.s32 s6, s0;
	s0 =	sadd.s32 $0xA00, s0;
	s28 =	ssub.s32 s1, s8  }
0xd: {  	s1 =	simm.s32 $0x11600;
	[dreg:$0x3] =	wrdreg s0;
	s7 =	sadd.s32 $0xE00, s7  }
0xe: {  	s8 =	sor.u32 $0x6400, s5;
	s9 =	smax.u32 s28, $0x1;
	s0 =	simm.s32 $0x10D00  }
.LBB2_1:
0xf: {  	s6 =	rddreg [dreg:$0x3];
	s22 =	simm.s32 $0x14800  }
0x10: {  	[tilespmem:s22], [sflag:$0x5] =	stream.linear.gather [hbm4b:s6+s3], $0x1900, $0x38;
	[tilespmem:$0x16100] =	vst v63  }
0x11: {  	_ =	swait.ge [sflag:s11], $0x1900  }
0x12: {  	[sflag:s11] =	ssyncset.done $0x0  }
0x13: {  	[sflag:s11] =	ssyncadd.s32 $0xFFFFE700  }
0x14: {  	[tilespmem:s3], [sflag:$0x5] =	stream.linear.gather [hbm4b:s7+s3], $0x8000, $0x38;
	[tilespmem:$0x16100] =	vst v63  }
0x15: {  	_ =	swait.ge [sflag:s11], $0x8000  }
0x16: {  	[sflag:s11] =	ssyncset.done $0x0  }
0x17: {  	[sflag:s11] =	ssyncadd.s32 $0xFFFF8000  }
0x18: {  	[tilespmem:s13], [sflag:$0x1] =	stream.indirect.gather [hbm4b:s4+s12], $0x20, s3, s12, $0xb8;
	[tilespmem:$0x16100] =	vst v63  }
0x19: {  	s26 =	simm.s32 $0x400;
	s28 =	simm.s32 $0x9000  }
0x1a: {  	[tilespmem:s28], [sflag:$0x1] =	stream.indirect.gather [hbm4b:s4+s14], $0x20, s26, s14, $0xb8;
	[tilespmem:$0x16100] =	vst v63  }
0x1b: {  	s23 =	simm.s32 $0x9900  }
0x1c: {  	[tilespmem:s23], [sflag:$0x1] =	stream.indirect.gather [hbm4b:s4+s12], $0x20, s12, s12, $0xb8;
	[tilespmem:$0x16100] =	vst v63  }
0x1d: {  	s24 =	simm.s32 $0x480;
	s25 =	simm.s32 $0xA900  }
0x1e: {  	[tilespmem:s25], [sflag:$0x1] =	stream.indirect.gather [hbm4b:s4+s14], $0x20, s24, s14, $0xb8;
	[tilespmem:$0x16100] =	vst v63  }
0x1f: {  	s26 =	simm.s32 $0x100;
	s28 =	simm.s32 $0xB200  }
0x20: {  	[tilespmem:s28], [sflag:$0x1] =	stream.indirect.gather [hbm4b:s4+s12], $0x20, s26, s12, $0xb8;
	[tilespmem:$0x16100] =	vst v63  }
0x21: {  	s22 =	simm.s32 $0x500;
	s23 =	simm.s32 $0xC200  }
0x22: {  	[tilespmem:s23], [sflag:$0x1] =	stream.indirect.gather [hbm4b:s4+s14], $0x20, s22, s14, $0xb8;
	[tilespmem:$0x16100] =	vst v63  }
0x23: {  	s24 =	simm.s32 $0x180;
	s25 =	simm.s32 $0xCB00  }
0x24: {  	[tilespmem:s25], [sflag:$0x1] =	stream.indirect.gather [hbm4b:s4+s12], $0x20, s24, s12, $0xb8;
	[tilespmem:$0x16100] =	vst v63  }
0x25: {  	s26 =	simm.s32 $0x580;
	s28 =	simm.s32 $0xDB00;
	s22 =	simm.s32 $0x0  }
0x26: {  	[tilespmem:s28], [sflag:$0x1] =	stream.indirect.gather [hbm4b:s4+s14], $0x20, s26, s14, $0xb8;
	[tilespmem:$0x16100] =	vst v63  }
.LBB2_2:
0x27: {  	p0 =	seq.s32 s22, $0x0  }
0x28: {  	s24 =	simm.s32 @!p0 $0x4  }
0x29: {  	s23 =	sshll.u32 s22, $0xB;
	_ =	swait.ge @!p0 [sflag:s24], $0x6400  }
0x2a: {  	s23 =	sand.u32 $0x3FFFF800, s23;
	[sflag:s24] =	ssyncset.done @!p0 $0x0  }
0x2b: {  	s6 =	sor.u32 $0x200, s23;
	[sflag:s24] =	ssyncadd.s32 @!p0 $0xFFFF9C00  }
0x2c: {  	[tilespmem:s29], [sflag:$0x2] =	stream.indirect.gather [hbm4b:s4+s12], $0x20, s6, s12, $0xb8;
	[tilespmem:$0x16100] =	vst v63  }
0x2d: {  	s25 =	sor.u32 $0x600, s23  }
0x2e: {  	[tilespmem:s30], [sflag:$0x2] =	stream.indirect.gather [hbm4b:s4+s14], $0x20, s25, s14, $0xb8;
	[tilespmem:$0x16100] =	vst v63  }
0x2f: {  	s26 =	sor.u32 $0x280, s23  }
0x30: {  	[tilespmem:s31], [sflag:$0x2] =	stream.indirect.gather [hbm4b:s4+s12], $0x20, s26, s12, $0xb8;
	[tilespmem:$0x16100] =	vst v63  }
0x31: {  	s28 =	sor.u32 $0x680, s23  }
0x32: {  	[tilespmem:s0], [sflag:$0x2] =	stream.indirect.gather [hbm4b:s4+s14], $0x20, s28, s14, $0xb8;
	[tilespmem:$0x16100] =	vst v63  }
0x33: {  	s6 =	sor.u32 $0x300, s23  }
0x34: {  	[tilespmem:s1], [sflag:$0x2] =	stream.indirect.gather [hbm4b:s4+s12], $0x20, s6, s12, $0xb8;
	[tilespmem:$0x16100] =	vst v63  }
0x35: {  	s25 =	sor.u32 $0x700, s23  }
0x36: {  	[tilespmem:s10], [sflag:$0x2] =	stream.indirect.gather [hbm4b:s4+s14], $0x20, s25, s14, $0xb8;
	[tilespmem:$0x16100] =	vst v63  }
0x37: {  	s26 =	sor.u32 $0x380, s23  }
0x38: {  	[tilespmem:s15], [sflag:$0x2] =	stream.indirect.gather [hbm4b:s4+s12], $0x20, s26, s12, $0xb8;
	[tilespmem:$0x16100] =	vst v63  }
0x39: {  	s28 =	sor.u32 $0x780, s23  }
0x3a: {  	[tilespmem:s16], [sflag:$0x2] =	stream.indirect.gather [hbm4b:s4+s14], $0x20, s28, s14, $0xb8;
	[tilespmem:$0x16100] =	vst v63  }
0x3b: {  	_ =	swait.ge [sflag:s17], $0x6400  }
0x3c: {  	[sflag:s17] =	ssyncset.done $0x0  }
0x3d: {  	s25 =	simm.s32 $0x0;
	[sflag:s17] =	ssyncadd.s32 $0xFFFF9C00  }
0x3e: {  	v1 =	vld [tilespmem:s25+$0x14800]  }
0x3f: {  	v0 =	vld [tilespmem:s25+$0x14810]  }
0x40: {  	v3 =	vld [tilespmem:s25+$0x8000]  }
0x41: {  	v7 =	vld [tilespmem:s25+$0x8010]  }
0x42: {  	v6 =	vld [tilespmem:s25+$0x9900]  }
0x43: {  	v4 =	vld [tilespmem:s25+$0x9910]  }
0x44: {  	v2 =	vld [tilespmem:s25+$0xB200]  }
0x45: {  	v5 =	vld [tilespmem:s25+$0xB210];
	v8 =	vadd.f32 v3, v1  }
0x46: {  	s24 =	simm.s32 $0x80;
	v7 =	vadd.f32 v7, v0;
	v3 =	vld [tilespmem:s25+$0xCB00]  }
.LBB2_3:
0x47: {  	s26 =	sshra.s32 s24, $0x2;
	p0 =	sne.s32 s24, $0x6380;
	[tilespmem:s25+$0x8000] =	vst v8;
	v6 =	vadd.f32 v6, v1;
	v8 =	vld [tilespmem:s25+$0xCB10]  }
0x48: {  	v9 =	vld [tilespmem:s26+$0x14800];
	[tilespmem:s25+$0x8010] =	vst v7;
	v4 =	vadd.f32 v4, v0  }
0x49: {  	v7 =	vld [tilespmem:s26+$0x14810];
	[tilespmem:s25+$0x9900] =	vst v6;
	v2 =	vadd.f32 v2, v1  }
0x4a: {  	v10 =	vld [tilespmem:s26+$0x8000];
	[tilespmem:s25+$0x9910] =	vst v4;
	v4 =	vadd.f32 v5, v0  }
0x4b: {  	v11 =	vld [tilespmem:s26+$0x8010];
	[tilespmem:s25+$0xB200] =	vst v2;
	v2 =	vadd.f32 v3, v1  }
.Ltmp0:
0x4c: {  	v6 =	vld [tilespmem:s26+$0x9900];
	[tilespmem:s25+$0xB210] =	vst v4;
	v3 =	vadd.f32 v8, v0;
	(pc) =	sbr.rel @p0 .LBB2_3-.Ltmp0, $4  }
0x4d: {  	v4 =	vld [tilespmem:s26+$0x9910];
	[tilespmem:s25+$0xCB00] =	vst v2;
	v1 =	vmov v9  }
0x4e: {  	v2 =	vld [tilespmem:s26+$0xB200];
	[tilespmem:s25+$0xCB10] =	vst v3;
	v0 =	vmov v7;
	s25 =	smov.u32 s26  }
0x4f: {  	v8 =	vadd.f32 v10, v1;
	v5 =	vld [tilespmem:s25+$0xB210]  }
0x50: {  	s24 =	sadd.s32 $0x80, s24;
	v7 =	vadd.f32 v11, v0;
	v3 =	vld [tilespmem:s25+$0xCB00]  }
0x51: {  	[tilespmem:s25+$0x8000] =	vst v8;
	v6 =	vadd.f32 v6, v1;
	v8 =	vld [tilespmem:s25+$0xCB10]  }
0x52: {  	[tilespmem:s25+$0x8010] =	vst v7;
	v4 =	vadd.f32 v4, v0  }
0x53: {  	[tilespmem:s25+$0x9900] =	vst v6;
	v2 =	vadd.f32 v2, v1  }
0x54: {  	s24 =	smul.u32 $0xC800, s22;
	[tilespmem:s25+$0x9910] =	vst v4;
	v4 =	vadd.f32 v5, v0  }
0x55: {  	[tilespmem:s25+$0xB200] =	vst v2;
	v1 =	vadd.f32 v3, v1  }
0x56: {  	s26 =	sadd.s32 s5, s24;
	[tilespmem:s25+$0xB210] =	vst v4;
	v0 =	vadd.f32 v8, v0  }
0x57: {  	p0 =	seq.s32 s22, $0xF;
	s26 =	sshrl.u32 s26, $0x3;
	[tilespmem:s25+$0xCB00] =	vst v1  }
0x58: {  	s28 =	sadd.s32 s2, s26;
	[tilespmem:s25+$0xCB10] =	vst v0;
	s25 =	simm.s32 @!p0 $0x3  }
0x59: {  	[hbm4b:s28+s3] =	stream.linear.scatter [tilespmem:s13], [sflag:$0x3], $0x6400, $0x38;
	[tilespmem:$0x16100] =	vst v63  }
0x5a: {  	_ =	swait.ge @!p0 [sflag:s25], $0x6400  }
0x5b: {  	s26 =	simm.s32 @!p0 $0x80;
	[sflag:s25] =	ssyncset.done @!p0 $0x0  }
0x5c: {  	s28 =	simm.s32 @!p0 $0x8000;
	[sflag:s25] =	ssyncadd.s32 @!p0 $0xFFFF9C00;
	s25 =	sadd.s32 @!p0 $0x800, s23  }
0x5d: {  	[tilespmem:s28], [sflag:$0x1] =	stream.indirect.gather @!p0 [hbm4b:s4+s26], $0x20, s25, s26, $0xb8;
	[tilespmem:$0x16100] =	vst v63  }
0x5e: {  	s6 =	simm.s32 @!p0 $0x9000;
	s25 =	sadd.s32 @!p0 $0xC00, s23;
	s28 =	simm.s32 @!p0 $0x48  }
0x5f: {  	[tilespmem:s6], [sflag:$0x1] =	stream.indirect.gather @!p0 [hbm4b:s4+s28], $0x20, s25, s28, $0xb8;
	[tilespmem:$0x16100] =	vst v63  }
0x60: {  	s6 =	sadd.s32 @!p0 $0x880, s23;
	s25 =	simm.s32 @!p0 $0x9900  }
0x61: {  	[tilespmem:s25], [sflag:$0x1] =	stream.indirect.gather @!p0 [hbm4b:s4+s26], $0x20, s6, s26, $0xb8;
	[tilespmem:$0x16100] =	vst v63  }
0x62: {  	s6 =	sadd.s32 @!p0 $0xC80, s23;
	s25 =	simm.s32 @!p0 $0xA900  }
0x63: {  	[tilespmem:s25], [sflag:$0x1] =	stream.indirect.gather @!p0 [hbm4b:s4+s28], $0x20, s6, s28, $0xb8;
	[tilespmem:$0x16100] =	vst v63  }
0x64: {  	s6 =	sadd.s32 @!p0 $0x900, s23;
	s25 =	simm.s32 @!p0 $0xB200  }
0x65: {  	[tilespmem:s25], [sflag:$0x1] =	stream.indirect.gather @!p0 [hbm4b:s4+s26], $0x20, s6, s26, $0xb8;
	[tilespmem:$0x16100] =	vst v63  }
0x66: {  	s6 =	sadd.s32 @!p0 $0xD00, s23;
	s25 =	simm.s32 @!p0 $0xC200  }
0x67: {  	[tilespmem:s25], [sflag:$0x1] =	stream.indirect.gather @!p0 [hbm4b:s4+s28], $0x20, s6, s28, $0xb8;
	[tilespmem:$0x16100] =	vst v63  }
0x68: {  	s6 =	sadd.s32 @!p0 $0x980, s23;
	s25 =	simm.s32 @!p0 $0xCB00  }
0x69: {  	[tilespmem:s25], [sflag:$0x1] =	stream.indirect.gather @!p0 [hbm4b:s4+s26], $0x20, s6, s26, $0xb8;
	[tilespmem:$0x16100] =	vst v63  }
0x6a: {  	s6 =	sadd.s32 @!p0 $0xD80, s23;
	s23 =	simm.s32 @!p0 $0xDB00  }
0x6b: {  	[tilespmem:s23], [sflag:$0x1] =	stream.indirect.gather @!p0 [hbm4b:s4+s28], $0x20, s6, s28, $0xb8;
	[tilespmem:$0x16100] =	vst v63  }
0x6c: {  	_ =	swait.ge [sflag:s18], $0x6400  }
0x6d: {  	[sflag:s18] =	ssyncset.done $0x0  }
0x6e: {  	s23 =	simm.s32 $0x0;
	[sflag:s18] =	ssyncadd.s32 $0xFFFF9C00  }
0x6f: {  	v1 =	vld [tilespmem:s23+$0x14800]  }
0x70: {  	v0 =	vld [tilespmem:s23+$0x14810]  }
0x71: {  	v5 =	vld [tilespmem:s23+$0xE400]  }
0x72: {  	v7 =	vld [tilespmem:s23+$0xE410]  }
0x73: {  	v6 =	vld [tilespmem:s23+$0xFD00]  }
0x74: {  	v3 =	vld [tilespmem:s23+$0xFD10]  }
0x75: {  	v2 =	vld [tilespmem:s23+$0x11600]  }
0x76: {  	v4 =	vld [tilespmem:s23+$0x11610];
	v8 =	vadd.f32 v5, v1  }
0x77: {  	s25 =	simm.s32 $0x80;
	v7 =	vadd.f32 v7, v0;
	v5 =	vld [tilespmem:s23+$0x12F00]  }
.LBB2_5:
0x78: {  	s6 =	sshra.s32 s25, $0x2;
	p0 =	sne.s32 s25, $0x6380;
	[tilespmem:s23+$0xE400] =	vst v8;
	v6 =	vadd.f32 v6, v1;
	v8 =	vld [tilespmem:s23+$0x12F10]  }
0x79: {  	v9 =	vld [tilespmem:s6+$0x14800];
	[tilespmem:s23+$0xE410] =	vst v7;
	v3 =	vadd.f32 v3, v0  }
0x7a: {  	v7 =	vld [tilespmem:s6+$0x14810];
	[tilespmem:s23+$0xFD00] =	vst v6;
	v2 =	vadd.f32 v2, v1  }
0x7b: {  	v10 =	vld [tilespmem:s6+$0xE400];
	[tilespmem:s23+$0xFD10] =	vst v3;
	v3 =	vadd.f32 v4, v0  }
0x7c: {  	v11 =	vld [tilespmem:s6+$0xE410];
	[tilespmem:s23+$0x11600] =	vst v2;
	v2 =	vadd.f32 v5, v1  }
.Ltmp1:
0x7d: {  	v6 =	vld [tilespmem:s6+$0xFD00];
	[tilespmem:s23+$0x11610] =	vst v3;
	v4 =	vadd.f32 v8, v0;
	(pc) =	sbr.rel @p0 .LBB2_5-.Ltmp1, $4  }
0x7e: {  	v3 =	vld [tilespmem:s6+$0xFD10];
	[tilespmem:s23+$0x12F00] =	vst v2;
	v1 =	vmov v9  }
0x7f: {  	v2 =	vld [tilespmem:s6+$0x11600];
	[tilespmem:s23+$0x12F10] =	vst v4;
	v0 =	vmov v7;
	s23 =	smov.u32 s6  }
0x80: {  	v8 =	vadd.f32 v10, v1;
	v4 =	vld [tilespmem:s23+$0x11610]  }
0x81: {  	s25 =	sadd.s32 $0x80, s25;
	v7 =	vadd.f32 v11, v0;
	v5 =	vld [tilespmem:s23+$0x12F00]  }
0x82: {  	[tilespmem:s23+$0xE400] =	vst v8;
	v6 =	vadd.f32 v6, v1;
	v60 =	vld [tilespmem:s23+$0x12F10]  }
0x83: {  	[tilespmem:s23+$0xE410] =	vst v7;
	v3 =	vadd.f32 v3, v0  }
0x84: {  	s22 =	sadd.s32 $0x1, s22;
	[tilespmem:s23+$0xFD00] =	vst v6;
	v2 =	vadd.f32 v2, v1  }
0x85: {  	p0 =	sne.s32 s22, $0x10;
	[tilespmem:s23+$0xFD10] =	vst v3;
	v61 =	vadd.f32 v4, v0  }
.Ltmp2:
0x86: {  	[tilespmem:s23+$0x11600] =	vst v2;
	v62 =	vadd.f32 v5, v1;
	(pc) =	sbr.rel @p0 .LBB2_2-.Ltmp2, $4  }
0x87: {  	s6 =	sadd.s32 s8, s24;
	[tilespmem:s23+$0x11610] =	vst v61;
	v63 =	vadd.f32 v60, v0  }
0x88: {  	s6 =	sshrl.u32 s6, $0x3;
	[tilespmem:s23+$0x12F00] =	vst v62  }
0x89: {  	s6 =	sadd.s32 s2, s6;
	[tilespmem:s23+$0x12F10] =	vst v63  }
0x8a: {  	[hbm4b:s6+s3] =	stream.linear.scatter [tilespmem:s29], [sflag:$0x4], $0x6400, $0x38;
	[tilespmem:$0x16100] =	vst v63  }
0x8b: {  	s21 =	sadd.s32 $0x1, s21  }
0x8c: {  	_ =	swait.ge [sflag:s19], $0x6400;
	p0 =	sne.s32 s21, s9  }
.Ltmp3:
0x8d: {  	[sflag:s19] =	ssyncset.done $0x0;
	(pc) =	sbr.rel @p0 .LBB2_1-.Ltmp3, $4  }
0x8e: {  	[sflag:s19] =	ssyncadd.s32 $0xFFFF9C00  }
0x8f: {  	_ =	swait.ge [sflag:s20], $0x6400  }
0x90: {  	[sflag:s20] =	ssyncset.done $0x0  }
0x91: {  	[sflag:s20] =	ssyncadd.s32 $0xFFFF9C00  }
0x92: {  	_ =	sfence.sel $0x180000  }
0x93: {  	[bflag:$0x0] =	sbarrier.arrive $0xFFFF  }
0x94: {  	_ =	strace $0x90000047  }
0x95: {  	s0 =	stileid.u32;
	[bflag:$0x2] =	sbarrier.arrive $0xFFFF  }
0x96: {  	p0 =	sne.s32 s0, $0x0;
	s0 =	rddreg [dreg:$0x2]  }
0x97: {  	s0 =	sadd.s32 @!p0 $0x100000, s0  }
0x98: {  	[sflag:s0] =	ssyncadd.tile.s32 @!p0 $0x1;
	_ =	shalt  }
.Lfunc_end2:
_tile_overlayer_lowered:
.L_overlay_start_2:
0x99: {  	(tag) =	ssettag $0x2  }
0x9a: {  	s0 =	rddreg [dreg:$0x0];
	s2 =	stileid.u32  }
0x9b: {  	s1 =	rddreg [dreg:$0x1];
	p0 =	sne.s32 s2, $0x0  }
0x9c: {  	s3 =	rddreg [dreg:$0x2];
	[bflag:$0x3] =	sbarrier.arrive $0xFFFF;
	s2 =	simm.s32 @!p0 $0x1C05  }
0x9d: {  	[timem:s3], [sflag:s2] =	dma.local @!p0 [hbm:s0], s1  }
0x9e: {  	s0 =	simm.s32 @!p0 $0x5  }
0x9f: {  	_ =	swait.ge @!p0 [sflag:s0], s1  }
0xa0: {  	s1 =	ssub.s32 @!p0 $0x0, s1;
	[sflag:s0] =	ssyncset.done @!p0 $0x0  }
0xa1: {  	[sflag:s0] =	ssyncadd.s32 @!p0 s1  }
0xa2: {  	[bflag:$0x3] =	sbarrier.arrive $0xFFFF  }
0xa3: {  	_ =	shalt  }

// kernel: sparse-core-data-format-call.cloned.1.call-start
scs
called_computation_lowered:
.L_overlay_start_0:
0x0: {  	s2 =	sld [smem:$0x3FD9]  }
0x1: {  	s3 =	sld [smem:$0x3FFE];
	_ =	sdelay $0x1  }
0x2: {  	s1 =	srdreg.scid  }
0x3: {  	s0 =	sand.u32 $0x1, s1  }
0x4: {  	s18 =	sshll.u32 s0, $0xA;
	s2 =	sadd.s32 s3, s2  }
0x5: {  	s2 =	sadd.s32 s2, s18  }
0x6: {  	[smem:$0x3FC5] =	sst s2  }
0x7: {  	_ = 	snop  }
0x8: {  	s2 =	sld [smem:$0x3FD0];
	(tm) =	ssettm $0x1  }
0x9: {  	s19 =	sld [smem:$0x3FFB];
	_ =	sdelay $0x3  }
0xa: {  	_ =	strace s19  }
0xb: {  	s3 =	sld [smem:$0x3FFC];
	_ =	sdelay $0x3  }
0xc: {  	_ =	strace s3  }
0xd: {  	s3 =	sld [smem:$0x3FFD];
	_ =	sdelay $0x3  }
0xe: {  	_ =	strace s3  }
0xf: {  	_ =	strace $0x8FFFFFFF  }
0x10: {  	s20 =	sld [smem:$0x3FDB];
	_ =	sdelay $0x1  }
0x11: {  	s4 =	simm.s32 $_scs_section_size  }
0x12: {  	s5 =	simm.s32 $_size__tile_overlayer_lowered;
	s6 =	simm.s32 $_tile_overlayer_lowered  }
0x13: {  	s23 =	simm.s32 $0x1BFF;
	s22 =	sshll.u32 s6, $0x1;
	s3 =	sadd.s32 s4, s20  }
0x14: {  	s7 =	simm.s32 $0x0;
	s21 =	sshll.u32 s5, $0x1;
	s5 =	sadd.s32 s22, s3  }
0x15: {  	[timem:s7], [sflag:s23] =	dma.local [hbm:s5], s21  }
0x16: {  	_ =	swait.ge [sflag:s23], s21  }
0x17: {  	s4 =	ssub.s32 $0x0, s21;
	[sflag:s23] =	ssyncset.done $0x0  }
0x18: {  	[sflag:s23] =	ssyncadd.s32 s4;
	_ =	sdelay $0x1  }
0x19: {  	s24 =	simm.s32 $0x1B8B  }
0x1a: {  	_ =	swait.ge [sflag:s24], $0x1  }
0x1b: {  	[sflag:s24] =	ssyncset.done $0x0  }
0x1c: {  	s26 =	simm.s32 $0x1B8E;
	s25 =	sld [smem:$0x3FFE];
	[sflag:s24] =	ssyncadd.s32 $0xFFFFFFFF  }
0x1d: {  	s27 =	simm.s32 $execute0_lowered;
	[smem:$0x3FD2] =	sst s26  }
0x1e: {  	s5 =	sshll.u32 s27, $0x1;
	_ =	strace $0x80000049;
	[dreg:$0x1] =	wrdreg $0xFFFFFFFF  }
0x1f: {  	s28 =	simm.s32 $_size_execute0_lowered;
	s3 =	sadd.s32 s3, s5;
	[dreg:$0x0] =	wrdreg $0x0  }
0x20: {  	s5 =	sshll.u32 s28, $0x1;
	[dreg:$0x2] =	wrdreg s3  }
0x21: {  	[dreg:$0x3] =	wrdreg s5  }
0x22: {  	[dreg:$0x4] =	wrdreg $0xC0  }
0x23: {  	_ =	task [dreg:s7], $0x5FFFF  }
0x24: {  	[dreg:$0x1] =	wrdreg $0xFFFFFFFF  }
0x25: {  	[dreg:$0x0] =	wrdreg $0x60  }
0x26: {  	[dreg:$0x2] =	wrdreg s25  }
0x27: {  	[dreg:$0x3] =	wrdreg s2  }
0x28: {  	[dreg:$0x4] =	wrdreg $0x9  }
0x29: {  	_ =	task.clear_ibuf [dreg:s7], $0x5FFFF;
	_ =	strace $0x90000049  }
0x2a: {  	s29 =	simm.s32 $0x9;
	_ =	strace $0x8000004B  }
0x2b: {  	_ =	swait.ge [sflag:s29], $0x1  }
0x2c: {  	[sflag:s29] =	ssyncadd.s32 $0xFFFFFFFF  }
0x2d: {  	_ =	strace $0x9000004B  }
0x2e: {  	_ =	sfence  }
0x2f: {  	s30 =	sld [smem:$0x0];
	_ =	sdelay $0x2  }
0x30: {  	s31 =	sshll.u32 s1, $0xD;
	s1 =	sshrl.u32 s1, $0x2  }
0x31: {  	s3 =	sand.u32 $0x4000, s31;
	s1 =	sadd.s32 s1, s30  }
0x32: {  	s0 =	sor.u32 s3, s0;
	s1 =	sshll.u32 s1, $0x11  }
0x33: {  	s0 =	sor.u32 s1, s0  }
0x34: {  	s0 =	sadd.s32 $0x8F2B, s0  }
0x35: {  	[sflag:s0] =	ssyncadd.remote.s32 $0x1  }
0x36: {  	_ =	sfence.sel $0xFFFF  }
0x37: {  	[dreg:$0x0] =	wrdreg $0xFFFFFFFF;
	(pc) =	sbr.abs _section_cstart, $3  }
0x38: {  	[dreg:$0x1] =	wrdreg $0xFFFFFFFF  }
0x39: {  	_ =	task.clear_ibuf [dreg:s7], $0x2FFFF;
	_ =	strace $0x9FFFFFFF  }
0x3a: {  	(tm) =	ssettm $0x7FFFFFFF  }
0x3b: {  	_ =	shalt  }
tec
execute0_lowered:
.L_overlay_start_1:
0x0: {  	(tag) =	ssettag $0x1  }
0x1: {  	s0 =	srdreg.scid  }
0x2: {  	s1 =	sshll.u32 s0, $0x4  }
0x3: {  	s0 =	stileid.u32;
	s1 =	sand.u32 $0x10, s1  }
0x4: {  	s1 =	sor.u32 s0, s1  }
0x5: {  	s6 =	rddreg [dreg:$0x0];
	s4 =	simm.s32 $0x1;
	s2 =	sshll.u32 s1, $0x7  }
0x6: {  	s7 =	simm.s32 $0x2;
	s12 =	simm.s32 $0x0;
	s1 =	ssub.s32 $0x1000, s2  }
0x7: {  	s8 =	simm.s32 $0x8000;
	s13 =	simm.s32 $0x0;
	s3 =	sand.u32 $0xF80, s1  }
0x8: {  	s9 =	simm.s32 $0x0;
	s5 =	sshrl.u32 s1, $0xC;
	p0 =	sne.s32 s3, $0x0  }
.Ltmp0:
0x9: {  	s1 =	rddreg [dreg:$0x2];
	s4 =	simm.s32 @!p0 $0x0;
	(pc) =	sbr.rel .LBB1_1-.Ltmp0, $4  }
0xa: {  	s11 =	simm.s32 $0x0;
	s3 =	rddreg [dreg:$0x1];
	s5 =	sadd.s32 s4, s5  }
0xb: {  	_ =	strace $0x8000004A;
	s4 =	simm.s32 $0x1;
	s5 =	smul.u32 $0xC8, s5  }
0xc: {  	s6 =	sadd.s32 $0xA00, s6;
	s10 =	smov.u32 s2;
	[sflag:s4] =	ssyncpa.u1 $0x0  }
0xd: {  	p0 =	por $0x0, $0x0;
	[sflag:s7] =	ssyncpa.u1 $0x0;
	s7 =	sor.u32 $0x1, s5  }
.LBB1_4:
0xe: {  	s16 =	sshll.u32 s13, $0x3;
	s17 =	sand.u32 $0x78, s13  }
0xf: {  	s30 =	sand.u32 $0x3E00, s13;
	s12 =	sshll.u32 s12, $0xE;
	s16 =	sand.u32 $0xC00, s16  }
0x10: {  	s31 =	sand.u32 $0x7, s13;
	s16 =	sor.u32 s17, s16;
	s17 =	sadd.s32 s3, s30  }
0x11: {  	s13 =	sshll.u32 s31, $0x12;
	s16 =	sshrl.u32 s16, $0x3;
	s12 =	sadd.s32 s12, s17  }
0x12: {  	[tilespmem:s15+$0x0 ss:$0x81] =	vst.msk $0xffff, v0;
	s13 =	sor.u32 $0x400, s13;
	s12 =	sadd.s32 s16, s12  }
0x13: {  	[hbm4b:s12+s13] =	stream.strided.scatter [tilespmem:s14], [sflag:$0x2], $0x1000, s8, s13, $0x20;
	[tilespmem:$0x4040] =	vst v63  }
.LBB1_5:
0x14: {  	s14 =	sadd.s32 $0x1, s9  }
0x15: {  	s12 =	sadd.s32 $0x1000, s10;
	s16 =	smov.u32 s10;
	p2 =	sgt.s32 s14, $0xC7  }
0x16: {  	s16 =	smov.u32 @p2 s12  }
0x17: {  	s14 =	simm.s32 @p2 $0x0;
	p2 =	sgt.s32 s16, $0xFFF  }
0x18: {  	s16 =	smov.u32 @p2 s2;
	p2 =	sne.s32 s11, s7  }
.Ltmp1:
0x19: {  	p1 =	slt.u32 s11, $0x2;
	(pc) =	sbr.rel @!p2 .LBB1_6-.Ltmp1, $4  }
0x1a: {  	s15 =	simm.s32 @!p1 $0x2  }
0x1b: {  	s13 =	smov.u32 s10;
	p0 =	por !p0, !p0;
	_ =	swait.ge @!p1 [sflag:s15], $0x1000  }
0x1c: {  	s12 =	smov.u32 s9;
	[sflag:s15] =	ssyncset.done @!p1 $0x0;
	s9 =	smov.u32 s14  }
0x1d: {  	s11 =	sadd.s32 $0x1, s11;
	[sflag:s15] =	ssyncadd.s32 @!p1 $0xFFFFF000;
	s10 =	smov.u32 s16  }
.LBB1_1:
0x1e: {  	p1 =	sge.u32 s11, s5  }
0x1f: {  	s14 =	sand.u32 @!p1 $0x1FFFFFF, s9  }
0x20: {  	s15 =	smulhi.u32 @!p1 $0x147AE15, s14;
	_ =	sdelay $0x1  }
0x21: {  	s15 =	smul.u32 @!p1 $0xC8, s15  }
0x22: {  	s16 =	sxor.u32 @!p1 $0xFFFFFFFF, s11;
	s17 =	smul.u32 @!p1 $0xC80, s10  }
0x23: {  	s31 =	sadd.s32 $0xFFFFFFFF, s11;
	s16 =	sshll.u32 @!p1 s16, $0xC;
	s14 =	ssub.s32 @!p1 s14, s15  }
0x24: {  	s15 =	sand.u32 @!p1 $0x1000, s16;
	s16 =	sadd.s32 @!p1 s6, s17;
	s14 =	sshll.u32 @!p1 s14, $0x4  }
0x25: {  	s17 =	simm.s32 @!p1 $0x6400;
	s14 =	sadd.s32 @!p1 s14, s16;
	s16 =	simm.s32 @!p1 $0x20  }
0x26: {  	[tilespmem:s15], [sflag:$0x1] =	stream.strided.gather @!p1 [hbm4b:s14+s16], $0x1000, s17, s16, $0x38;
	[tilespmem:$0x4040] =	vst v63  }
0x27: {  	p1 =	sge.u32 s31, s5  }
.Ltmp2:
0x28: {  	_ = 	snop;
	(pc) =	sbr.rel @p1 .LBB1_5-.Ltmp2, $1  }
0x29: {  	_ =	sdelay $0x3  }
0x2a: {  	s14 =	simm.s32 $0x1  }
0x2b: {  	_ =	swait.ge [sflag:s4], $0x1000;
	s14 =	simm.s32 @!p0 $0x0  }
0x2c: {  	[sflag:s4] =	ssyncset.done $0x0;
	s15 =	sshll.u32 s14, $0xC  }
0x2d: {  	[sflag:s4] =	ssyncadd.s32 $0xFFFFF000;
	s18 =	sor.u32 $0x10, s15  }
0x2e: {  	s14 =	smul.u32 $0x4080, s14;
	v1 =	vld [tilespmem:s18+$0x0]  }
0x2f: {  	s30 =	sand.u32 $0x1, s11;
	v0 =	vld [tilespmem:s18+$0xFFFFFFF0]  }
0x30: {  	s15 =	smul.u32 $0x4080, s30;
	s14 =	sshrl.u32 s14, $0x2  }
0x31: {  	s16 =	sor.u32 $0x2000, s14  }
0x32: {  	s31 =	sshrl.u32 s15, $0x2;
	s15 =	sadd.s32 $0x0, s16  }
0x33: {  	s17 =	simm.s32 $0x4;
	s18 =	sadd.s32 $0x20, s18;
	s14 =	sor.u32 $0x2000, s31;
	[tilespmem:s15+$0x810 ss:$0x81] =	vst.msk $0xffff, v1  }
.LBB1_3:
0x34: {  	v1 =	vld [tilespmem:s18+$0x0];
	p1 =	sne.s32 s17, $0x1FC;
	[tilespmem:s15+$0x0 ss:$0x81] =	vst.msk $0xffff, v0;
	s15 =	smov.u32 s17;
	s17 =	sadd.s32 $0x4, s17  }
.Ltmp3:
0x35: {  	v0 =	vld [tilespmem:s18+$0xFFFFFFF0];
	(pc) =	sbr.rel @p1 .LBB1_3-.Ltmp3, $4  }
0x36: {  	_ = 	snop  }
0x37: {  	s15 =	sshra.s32 s15, $0x2  }
0x38: {  	s15 =	sadd.s32 s15, s16  }
0x39: {  	s18 =	sadd.s32 $0x20, s18;
	[tilespmem:s15+$0x810 ss:$0x81] =	vst.msk $0xffff, v1  }
.Ltmp4:
0x3a: {  	_ = 	snop;
	(pc) =	sbr.rel .LBB1_4-.Ltmp4, $1  }
0x3b: {  	_ =	sdelay $0x3  }
.LBB1_6:
0x3c: {  	_ =	sfence.sel $0x180000  }
0x3d: {  	s2 =	simm.s32 $0x1;
	[bflag:$0x0] =	sbarrier.arrive $0xFFFF  }
0x3e: {  	s31 =	simm.s32 $0x2;
	[sflag:s2] =	ssyncpa.u1 $0x1  }
0x3f: {  	[sflag:s31] =	ssyncpa.u1 $0x1  }
0x40: {  	p0 =	sne.s32 s0, $0x0;
	_ =	strace $0x9000004A  }
0x41: {  	s0 =	sadd.s32 @!p0 $0x100000, s1;
	[bflag:$0x2] =	sbarrier.arrive $0xFFFF  }
0x42: {  	[sflag:s0] =	ssyncadd.tile.s32 @!p0 $0x1;
	_ =	shalt  }
.Lfunc_end1:
_tile_overlayer_lowered:
.L_overlay_start_2:
0x43: {  	(tag) =	ssettag $0x2  }
0x44: {  	s0 =	rddreg [dreg:$0x0];
	s2 =	stileid.u32  }
0x45: {  	s1 =	rddreg [dreg:$0x1];
	p0 =	sne.s32 s2, $0x0  }
0x46: {  	s3 =	rddreg [dreg:$0x2];
	[bflag:$0x3] =	sbarrier.arrive $0xFFFF;
	s2 =	simm.s32 @!p0 $0x1C01  }
0x47: {  	[timem:s3], [sflag:s2] =	dma.local @!p0 [hbm:s0], s1  }
0x48: {  	s0 =	simm.s32 @!p0 $0x1  }
0x49: {  	_ =	swait.ge @!p0 [sflag:s0], s1  }
0x4a: {  	s1 =	ssub.s32 @!p0 $0x0, s1;
	[sflag:s0] =	ssyncset.done @!p0 $0x0  }
0x4b: {  	[sflag:s0] =	ssyncadd.s32 @!p0 s1  }
0x4c: {  	[bflag:$0x3] =	sbarrier.arrive $0xFFFF  }
0x4d: {  	_ =	shalt  }

</sc_bundles>
